<compile_context>
chip_gen: v7x
topology: tpu7x:2x2x1
jax: 0.10.2.dev20260603
libtpu: 0.0.44.dev20260713+nightly
codegen_flags: <defaults>
</compile_context>

<pallas_src>
import functools

import jax
import jax.numpy as jnp
from jax import lax
from jax.experimental import pallas as pl
from jax.experimental.pallas import tpu as pltpu
from jax.experimental.pallas import tpu_sc as plsc

B = 32
K = 1024
DIM = 2048
KNN = 8
N_CLASS = 16
INV_T = 20.0

NC = 2
NS = 16
L = 16

KTC = 896
KSC = K - KTC

CH = 16
NBUF = 2
NCHUNK = KSC // CH
STEPS = NCHUNK // NBUF
UNROLL = 2
DGRP = DIM // (L * UNROLL)

BK = 128
BB = 8

BIG = 3.0e38

_mesh = plsc.VectorSubcoreMesh(core_axis_name="c", subcore_axis_name="s")
_sc_params = pltpu.CompilerParams(needs_layout_passes=False)


def _merge_sorted(top_d, top_l, sd, sl):
    sdr = jnp.flip(sd)
    slr = jnp.flip(sl)
    sel = top_d <= sdr
    md = jnp.where(sel, top_d, sdr)
    ml = jnp.where(sel, top_l, slr)
    rd, rl = plsc.sort_key_val(md, ml)
    return rd, rl


@functools.partial(
    pl.kernel,
    out_type=(
        jax.ShapeDtypeStruct((B, L), jnp.float32),
        jax.ShapeDtypeStruct((B, L), jnp.int32),
    ),
    mesh=_mesh,
    compiler_params=_sc_params,
    scratch_types=[
        pltpu.VMEM((DIM,), jnp.float32),
        pltpu.VMEM((KSC,), jnp.int32),
        pltpu.VMEM((CH, DIM), jnp.float32),
        pltpu.VMEM((CH, DIM), jnp.float32),
        pltpu.VMEM((L,), jnp.float32),
        pltpu.VMEM((L,), jnp.int32),
        pltpu.SemaphoreType.DMA,
        pltpu.SemaphoreType.DMA,
    ],
)
def _sc_partial(logits_hbm, qa_hbm, ql_hbm, outd_hbm, outl_hbm,
                l_ref, lab_ref, buf0, buf1, tdv, tlv,
                sem0, sem1):
    b = lax.axis_index("s") * NC + lax.axis_index("c")
    bufs = (buf0, buf1)
    sems = (sem0, sem1)

    pltpu.sync_copy(logits_hbm.at[b], l_ref)
    pltpu.sync_copy(ql_hbm.at[b, pl.ds(KTC, KSC)], lab_ref)

    for i in range(NBUF):
        pltpu.async_copy(
            qa_hbm.at[b, pl.ds(KTC + i * CH, CH), :], bufs[i], sems[i])

    def chunk_dists(buf):
        def dim_body(j, accs):
            accs = list(accs)
            for u in range(UNROLL):
                base = (j * UNROLL + u) * L
                lvec = l_ref[pl.ds(base, L)]
                for a in range(CH):
                    d = buf[a, pl.ds(base, L)] - lvec
                    accs[a] = accs[a] + d * d
            return tuple(accs)

        z = jnp.zeros((L,), jnp.float32)
        accs = lax.fori_loop(0, DGRP, dim_body, (z,) * CH)
        lanes = lax.iota(jnp.int32, L)
        dvec = jnp.zeros((L,), jnp.float32)
        for a in range(CH):
            dvec = jnp.where(lanes == a, jnp.sum(accs[a]), dvec)
        return dvec

    def consume(k, i, top_d, top_l, refill):
        src = qa_hbm.at[b, pl.ds(KTC + k * CH, CH), :]
        pltpu.make_async_copy(src, bufs[i], sems[i]).wait()

        dvec = chunk_dists(bufs[i])
        lab16 = lab_ref[pl.ds(k * CH, L)]

        if refill:
            nk = k + NBUF

            @pl.when(nk < NCHUNK)
            def _():
                pltpu.async_copy(
                    qa_hbm.at[b, pl.ds(KTC + nk * CH, CH), :],
                    bufs[i], sems[i])

        sd, sl = plsc.sort_key_val(dvec, lab16)
        return _merge_sorted(top_d, top_l, sd, sl)

    def step(s, carry):
        top_d, top_l = carry
        for i in range(NBUF):
            top_d, top_l = consume(s * NBUF + i, i, top_d, top_l, refill=True)
        return top_d, top_l

    top_d = jnp.full((L,), BIG, jnp.float32)
    top_l = jnp.zeros((L,), jnp.int32)
    top_d, top_l = lax.fori_loop(0, STEPS, step, (top_d, top_l))
    for k in range(STEPS * NBUF, NCHUNK):
        top_d, top_l = consume(k, k % NBUF, top_d, top_l, refill=False)

    tdv[...] = top_d
    tlv[...] = top_l
    pltpu.sync_copy(tdv, outd_hbm.at[b])
    pltpu.sync_copy(tlv, outl_hbm.at[b])


def _tc_body(l_ref, qa_ref, o_ref):
    d = qa_ref[...] - l_ref[...][:, None, :]
    o_ref[...] = jnp.sum(d * d, axis=-1)


_tc_dists = pl.pallas_call(
    _tc_body,
    grid=(B // BB, KTC // BK),
    in_specs=[
        pl.BlockSpec((BB, DIM), lambda i, k: (i, 0)),
        pl.BlockSpec((BB, BK, DIM), lambda i, k: (i, k, 0)),
    ],
    out_specs=pl.BlockSpec((BB, BK), lambda i, k: (i, k)),
    out_shape=jax.ShapeDtypeStruct((B, KTC), jnp.float32),
)


def _tc_finish_body(tcd_ref, lab_ref, scd_ref, scl_ref, o_ref):
    KA = KTC + L
    d_all = jnp.concatenate([tcd_ref[...], scd_ref[...]], axis=1)
    lab_all = jnp.concatenate([lab_ref[...][:, :KTC], scl_ref[...]], axis=1)
    kio = jax.lax.broadcasted_iota(jnp.int32, (B, KA), 1)

    cur = d_all
    vals = []
    labs = []
    for _ in range(KNN):
        v = jnp.min(cur, axis=1, keepdims=True)
        cand = jnp.where(cur == v, kio, KA)
        idx = jnp.min(cand, axis=1, keepdims=True)
        hit = kio == idx
        labs.append(jnp.sum(jnp.where(hit, lab_all, 0), axis=1, keepdims=True))
        vals.append(v)
        cur = jnp.where(hit, BIG, cur)

    s = -INV_T * jnp.concatenate(vals, axis=1)
    m = jnp.max(s, axis=1, keepdims=True)
    e = jnp.exp(s - m)
    w = e / jnp.sum(e, axis=1, keepdims=True)

    cio = jax.lax.broadcasted_iota(jnp.int32, (B, N_CLASS), 1)
    acc = jnp.zeros((B, N_CLASS), jnp.float32)
    for r in range(KNN):
        acc = acc + w[:, r:r + 1] * (cio == labs[r]).astype(jnp.float32)
    o_ref[...] = acc


_tc_finish = pl.pallas_call(
    _tc_finish_body,
    out_shape=jax.ShapeDtypeStruct((B, N_CLASS), jnp.float32),
)


def kernel(logits, queue_anchor, queue_label):
    scd, scl = _sc_partial(logits, queue_anchor, queue_label)
    tcd = _tc_dists(logits, queue_anchor)
    return _tc_finish(tcd, queue_label, scd, scl)

# --- scband reference (transcript-rebuilt; emitter-appended) ---
"""Pipeline reference for scband-anchor-stores-3573412790449 (READ-ONLY COPY).

The authoritative reference and input builder live on the scoring server;
editing this copy changes nothing except your own understanding.
"""

import jax, jax.numpy as jnp
import numpy as np

B = 32
K = 1024
DIM = 2048
KNN = 8
N_CLASS = 16
KNN_T = 0.05


def setup_inputs(seed: int = 0) -> dict:
    key = jax.random.key(seed)
    k1, k2, k3 = jax.random.split(key, 3)
    logits = jax.random.normal(k1, (B, DIM), dtype=jnp.float32)
    queue_anchor = jax.random.normal(k2, (B, K, DIM), dtype=jnp.float32)
    queue_label = jax.random.randint(k3, (B, K), 0, N_CLASS, dtype=jnp.int32)
    return {"logits": logits, "queue_anchor": queue_anchor, "queue_label": queue_label}


def reference(logits, queue_anchor, queue_label):
    # knn_calibrate with dist_metric='l2' (the 'kl' branch is shape-inconsistent in the source)
    bs = logits.shape[0]
    qa = queue_anchor[:bs, :, :]                      # [B, K, dim]
    ql = queue_label[:bs, :]                          # [B, K]
    # L2 distances: ((queue_anchor - logits.unsqueeze(1)) ** 2).sum(-1)
    dists = jnp.sum((qa - logits[:, None, :]) ** 2, axis=-1)   # [B, K]
    scaled_dists = (-1.0 / KNN_T) * dists
    top_dists, top_indices = jax.lax.top_k(scaled_dists, KNN)  # [B, knn]
    # gather labels of the top-k neighbors
    top_values = jnp.take_along_axis(ql, top_indices, axis=1)  # [B, knn]
    knn_weight = jax.nn.softmax(top_dists, axis=-1)            # [B, knn]
    # scatter_(2, top_values, knn_weight) then sum over knn axis
    knn_prob = jnp.zeros((bs, KNN, N_CLASS), dtype=logits.dtype)
    b_idx = jnp.arange(bs)[:, None]
    k_idx = jnp.arange(KNN)[None, :]
    knn_prob = knn_prob.at[b_idx, k_idx, top_values].set(knn_weight)
    knn_prob = knn_prob.sum(axis=-2)                  # [B, n_class]
    return knn_prob

if __name__ == "__main__":
    import jax
    _d = setup_inputs()
    print(jax.jit(kernel)(*tuple(_d.values())))

</pallas_src>

<mosaic_0001>
#map = affine_map<(d0, d1) -> (0, 0)>
#map1 = affine_map<(d0, d1) -> (0, 0, 0)>
module attributes {stable_mosaic.version = 14 : i64} {
  func.func @_sc_partial(%arg0: i32, %arg1: i32, %arg2: memref<32x2048xf32, #tpu.memory_space<hbm>>, %arg3: memref<32x1024x2048xf32, #tpu.memory_space<hbm>>, %arg4: memref<32x1024xi32, #tpu.memory_space<hbm>>, %arg5: memref<32x16xf32, #tpu.memory_space<hbm>>, %arg6: memref<32x16xi32, #tpu.memory_space<hbm>>, %arg7: memref<2048xf32, #tpu.memory_space<vmem>>, %arg8: memref<128xi32, #tpu.memory_space<vmem>>, %arg9: memref<16x2048xf32, #tpu.memory_space<vmem>>, %arg10: memref<16x2048xf32, #tpu.memory_space<vmem>>, %arg11: memref<16xf32, #tpu.memory_space<vmem>>, %arg12: memref<16xi32, #tpu.memory_space<vmem>>, %arg13: memref<!tpu.dma_semaphore, #tpu.memory_space<semaphore_mem>>, %arg14: memref<!tpu.dma_semaphore, #tpu.memory_space<semaphore_mem>>) attributes {dimension_semantics = [#tpu.dimension_semantics<core_parallel>, #tpu.dimension_semantics<subcore_parallel>], iteration_bounds = array<i64: 2, 16>, scalar_prefetch = 0 : i64, scratch_operands = 8 : i64, tpu.core_type = #tpu.core_type<sc_vector_subcore>, window_params = [{transform_indices = #map}, {transform_indices = #map1}, {transform_indices = #map}, {transform_indices = #map}, {transform_indices = #map}]} {
    %mul3A = arith.constant 2 : i32
    %mul3A_0 = arith.muli %arg1, %mul3A : i32
    %add3A = arith.addi %mul3A_0, %arg0 : i32
    "tpu.region"() ({
      %run_scoped3A = tpu.sem_alloc : memref<!tpu.dma_semaphore, #tpu.memory_space<semaphore_mem>>
      %dma_start3A_27 = arith.constant 0 : i32
      %dma_start3A_28 = tpu.memref_slice %arg2[%add3A, %dma_start3A_27] : memref<32x2048xf32, #tpu.memory_space<hbm>> -> memref<1x2048xf32, #tpu.memory_space<hbm>>
      %dma_start3A_29 = tpu.memref_squeeze %dma_start3A_28 : memref<1x2048xf32, #tpu.memory_space<hbm>> -> memref<2048xf32, #tpu.memory_space<hbm>>
      %dma_start3A_30 = arith.constant 0 : i32
      %dma_start3A_31 = tpu.memref_slice %arg2[%add3A, %dma_start3A_30] : memref<32x2048xf32, #tpu.memory_space<hbm>> -> memref<1x2048xf32, #tpu.memory_space<hbm>>
      %dma_start3A_32 = tpu.memref_squeeze %dma_start3A_31 : memref<1x2048xf32, #tpu.memory_space<hbm>> -> memref<2048xf32, #tpu.memory_space<hbm>>
      tpu.enqueue_dma source(%dma_start3A_32 : memref<2048xf32, #tpu.memory_space<hbm>>) target(%arg7 : memref<2048xf32, #tpu.memory_space<vmem>>) target_semaphore(%run_scoped3A : memref<!tpu.dma_semaphore, #tpu.memory_space<semaphore_mem>>)
      %dma_wait3A = arith.constant 0 : i32
      %dma_wait3A_33 = tpu.memref_slice %arg2[%add3A, %dma_wait3A] : memref<32x2048xf32, #tpu.memory_space<hbm>> -> memref<1x2048xf32, #tpu.memory_space<hbm>>
      %dma_wait3A_34 = tpu.memref_squeeze %dma_wait3A_33 : memref<1x2048xf32, #tpu.memory_space<hbm>> -> memref<2048xf32, #tpu.memory_space<hbm>>
      %dma_wait3A_35 = arith.constant 0 : i32
      %dma_wait3A_36 = tpu.memref_slice %arg2[%add3A, %dma_wait3A_35] : memref<32x2048xf32, #tpu.memory_space<hbm>> -> memref<1x2048xf32, #tpu.memory_space<hbm>>
      %dma_wait3A_37 = tpu.memref_squeeze %dma_wait3A_36 : memref<1x2048xf32, #tpu.memory_space<hbm>> -> memref<2048xf32, #tpu.memory_space<hbm>>
      tpu.wait_dma2 semaphore(%run_scoped3A : memref<!tpu.dma_semaphore, #tpu.memory_space<semaphore_mem>>) src(%dma_wait3A_37 : memref<2048xf32, #tpu.memory_space<hbm>>) dst(%arg7 : memref<2048xf32, #tpu.memory_space<vmem>>)
      tpu.yield
    }) : () -> ()
    "tpu.region"() ({
      %run_scoped3A = tpu.sem_alloc : memref<!tpu.dma_semaphore, #tpu.memory_space<semaphore_mem>>
      %dma_start3A_27 = arith.constant 896 : i32
      %dma_start3A_28 = tpu.memref_slice %arg4[%add3A, %dma_start3A_27] : memref<32x1024xi32, #tpu.memory_space<hbm>> -> memref<1x128xi32, #tpu.memory_space<hbm>>
      %dma_start3A_29 = tpu.memref_squeeze %dma_start3A_28 : memref<1x128xi32, #tpu.memory_space<hbm>> -> memref<128xi32, #tpu.memory_space<hbm>>
      %dma_start3A_30 = arith.constant 896 : i32
      %dma_start3A_31 = tpu.memref_slice %arg4[%add3A, %dma_start3A_30] : memref<32x1024xi32, #tpu.memory_space<hbm>> -> memref<1x128xi32, #tpu.memory_space<hbm>>
      %dma_start3A_32 = tpu.memref_squeeze %dma_start3A_31 : memref<1x128xi32, #tpu.memory_space<hbm>> -> memref<128xi32, #tpu.memory_space<hbm>>
      tpu.enqueue_dma source(%dma_start3A_32 : memref<128xi32, #tpu.memory_space<hbm>>) target(%arg8 : memref<128xi32, #tpu.memory_space<vmem>>) target_semaphore(%run_scoped3A : memref<!tpu.dma_semaphore, #tpu.memory_space<semaphore_mem>>)
      %dma_wait3A = arith.constant 896 : i32
      %dma_wait3A_33 = tpu.memref_slice %arg4[%add3A, %dma_wait3A] : memref<32x1024xi32, #tpu.memory_space<hbm>> -> memref<1x128xi32, #tpu.memory_space<hbm>>
      %dma_wait3A_34 = tpu.memref_squeeze %dma_wait3A_33 : memref<1x128xi32, #tpu.memory_space<hbm>> -> memref<128xi32, #tpu.memory_space<hbm>>
      %dma_wait3A_35 = arith.constant 896 : i32
      %dma_wait3A_36 = tpu.memref_slice %arg4[%add3A, %dma_wait3A_35] : memref<32x1024xi32, #tpu.memory_space<hbm>> -> memref<1x128xi32, #tpu.memory_space<hbm>>
      %dma_wait3A_37 = tpu.memref_squeeze %dma_wait3A_36 : memref<1x128xi32, #tpu.memory_space<hbm>> -> memref<128xi32, #tpu.memory_space<hbm>>
      tpu.wait_dma2 semaphore(%run_scoped3A : memref<!tpu.dma_semaphore, #tpu.memory_space<semaphore_mem>>) src(%dma_wait3A_37 : memref<128xi32, #tpu.memory_space<hbm>>) dst(%arg8 : memref<128xi32, #tpu.memory_space<vmem>>)
      tpu.yield
    }) : () -> ()
    %dma_start3A = arith.constant 896 : i32
    %dma_start3A_1 = arith.constant 0 : i32
    %dma_start3A_2 = tpu.memref_slice %arg3[%add3A, %dma_start3A, %dma_start3A_1] : memref<32x1024x2048xf32, #tpu.memory_space<hbm>> -> memref<1x16x2048xf32, #tpu.memory_space<hbm>>
    %dma_start3A_3 = tpu.memref_squeeze %dma_start3A_2 : memref<1x16x2048xf32, #tpu.memory_space<hbm>> -> memref<16x2048xf32, #tpu.memory_space<hbm>>
    %dma_start3A_4 = arith.constant 896 : i32
    %dma_start3A_5 = arith.constant 0 : i32
    %dma_start3A_6 = tpu.memref_slice %arg3[%add3A, %dma_start3A_4, %dma_start3A_5] : memref<32x1024x2048xf32, #tpu.memory_space<hbm>> -> memref<1x16x2048xf32, #tpu.memory_space<hbm>>
    %dma_start3A_7 = tpu.memref_squeeze %dma_start3A_6 : memref<1x16x2048xf32, #tpu.memory_space<hbm>> -> memref<16x2048xf32, #tpu.memory_space<hbm>>
    tpu.enqueue_dma source(%dma_start3A_7 : memref<16x2048xf32, #tpu.memory_space<hbm>>) target(%arg9 : memref<16x2048xf32, #tpu.memory_space<vmem>>) target_semaphore(%arg13 : memref<!tpu.dma_semaphore, #tpu.memory_space<semaphore_mem>>)
    %dma_start3A_8 = arith.constant 912 : i32
    %dma_start3A_9 = arith.constant 0 : i32
    %dma_start3A_10 = tpu.memref_slice %arg3[%add3A, %dma_start3A_8, %dma_start3A_9] : memref<32x1024x2048xf32, #tpu.memory_space<hbm>> -> memref<1x16x2048xf32, #tpu.memory_space<hbm>>
    %dma_start3A_11 = tpu.memref_squeeze %dma_start3A_10 : memref<1x16x2048xf32, #tpu.memory_space<hbm>> -> memref<16x2048xf32, #tpu.memory_space<hbm>>
    %dma_start3A_12 = arith.constant 912 : i32
    %dma_start3A_13 = arith.constant 0 : i32
    %dma_start3A_14 = tpu.memref_slice %arg3[%add3A, %dma_start3A_12, %dma_start3A_13] : memref<32x1024x2048xf32, #tpu.memory_space<hbm>> -> memref<1x16x2048xf32, #tpu.memory_space<hbm>>
    %dma_start3A_15 = tpu.memref_squeeze %dma_start3A_14 : memref<1x16x2048xf32, #tpu.memory_space<hbm>> -> memref<16x2048xf32, #tpu.memory_space<hbm>>
    tpu.enqueue_dma source(%dma_start3A_15 : memref<16x2048xf32, #tpu.memory_space<hbm>>) target(%arg10 : memref<16x2048xf32, #tpu.memory_space<vmem>>) target_semaphore(%arg14 : memref<!tpu.dma_semaphore, #tpu.memory_space<semaphore_mem>>)
    %broadcast_in_dim3A = arith.constant 3.000000e+38 : f32
    %broadcast_in_dim3A_16 = vector.broadcast %broadcast_in_dim3A : f32 to vector<16xf32>
    %broadcast_in_dim3A_17 = arith.constant 0 : i32
    %broadcast_in_dim3A_18 = vector.broadcast %broadcast_in_dim3A_17 : i32 to vector<16xi32>
    %scan3A = arith.constant 0 : i32
    %scan3A_19 = arith.constant 4 : i32
    %scan3A_20 = arith.addi %scan3A, %scan3A_19 : i32
    %scan3A_21 = arith.constant 1 : i32
    %scan3A_22:2 = scf.for %scan3A_27 = %scan3A to %scan3A_20 step %scan3A_21 iter_args(%scan3A_28 = %broadcast_in_dim3A_16, %scan3A_29 = %broadcast_in_dim3A_18) -> (vector<16xf32>, vector<16xi32>)  : i32 {
      %mul3A_30 = arith.constant 2 : i32
      %mul3A_31 = arith.muli %scan3A_27, %mul3A_30 : i32
      %add3A_32 = arith.constant 0 : i32
      %add3A_33 = arith.addi %mul3A_31, %add3A_32 : i32
      %mul3A_34 = arith.constant 16 : i32
      %mul3A_35 = arith.muli %add3A_33, %mul3A_34 : i32
      %add3A_36 = arith.constant 896 : i32
      %add3A_37 = arith.addi %add3A_36, %mul3A_35 : i32
      %dma_wait3A = arith.constant 0 : i32
      %dma_wait3A_38 = tpu.memref_slice %arg3[%add3A, %add3A_37, %dma_wait3A] : memref<32x1024x2048xf32, #tpu.memory_space<hbm>> -> memref<1x16x2048xf32, #tpu.memory_space<hbm>>
      %dma_wait3A_39 = tpu.memref_squeeze %dma_wait3A_38 : memref<1x16x2048xf32, #tpu.memory_space<hbm>> -> memref<16x2048xf32, #tpu.memory_space<hbm>>
      %dma_wait3A_40 = arith.constant 0 : i32
      %dma_wait3A_41 = tpu.memref_slice %arg3[%add3A, %add3A_37, %dma_wait3A_40] : memref<32x1024x2048xf32, #tpu.memory_space<hbm>> -> memref<1x16x2048xf32, #tpu.memory_space<hbm>>
      %dma_wait3A_42 = tpu.memref_squeeze %dma_wait3A_41 : memref<1x16x2048xf32, #tpu.memory_space<hbm>> -> memref<16x2048xf32, #tpu.memory_space<hbm>>
      tpu.wait_dma2 semaphore(%arg13 : memref<!tpu.dma_semaphore, #tpu.memory_space<semaphore_mem>>) src(%dma_wait3A_42 : memref<16x2048xf32, #tpu.memory_space<hbm>>) dst(%arg9 : memref<16x2048xf32, #tpu.memory_space<vmem>>)
      %broadcast_in_dim3A_43 = arith.constant 0.000000e+00 : f32
      %broadcast_in_dim3A_44 = vector.broadcast %broadcast_in_dim3A_43 : f32 to vector<16xf32>
      %scan3A_45 = arith.constant 0 : i32
      %scan3A_46 = arith.constant 64 : i32
      %scan3A_47 = arith.addi %scan3A_45, %scan3A_46 : i32
      %scan3A_48 = arith.constant 1 : i32
      %scan3A_49:16 = scf.for %scan3A_420 = %scan3A_45 to %scan3A_47 step %scan3A_48 iter_args(%scan3A_421 = %broadcast_in_dim3A_44, %scan3A_422 = %broadcast_in_dim3A_44, %scan3A_423 = %broadcast_in_dim3A_44, %scan3A_424 = %broadcast_in_dim3A_44, %scan3A_425 = %broadcast_in_dim3A_44, %scan3A_426 = %broadcast_in_dim3A_44, %scan3A_427 = %broadcast_in_dim3A_44, %scan3A_428 = %broadcast_in_dim3A_44, %scan3A_429 = %broadcast_in_dim3A_44, %scan3A_430 = %broadcast_in_dim3A_44, %scan3A_431 = %broadcast_in_dim3A_44, %scan3A_432 = %broadcast_in_dim3A_44, %scan3A_433 = %broadcast_in_dim3A_44, %scan3A_434 = %broadcast_in_dim3A_44, %scan3A_435 = %broadcast_in_dim3A_44, %scan3A_436 = %broadcast_in_dim3A_44) -> (vector<16xf32>, vector<16xf32>, vector<16xf32>, vector<16xf32>, vector<16xf32>, vector<16xf32>, vector<16xf32>, vector<16xf32>, vector<16xf32>, vector<16xf32>, vector<16xf32>, vector<16xf32>, vector<16xf32>, vector<16xf32>, vector<16xf32>, vector<16xf32>)  : i32 {
        %mul3A_437 = arith.constant 2 : i32
        %mul3A_438 = arith.muli %scan3A_420, %mul3A_437 : i32
        %add3A_439 = arith.constant 0 : i32
        %add3A_440 = arith.addi %mul3A_438, %add3A_439 : i32
        %mul3A_441 = arith.constant 16 : i32
        %mul3A_442 = arith.muli %add3A_440, %mul3A_441 : i32
        %get3A_443 = arith.index_cast %mul3A_442 : i32 to index
        %get3A_444 = tpu.vector_load %arg7[%get3A_443] {strides = array<i32>} : memref<2048xf32, #tpu.memory_space<vmem>>, vector<16xf32>,
        %get3A_445 = arith.constant 0 : i32
        %get3A_446 = arith.index_cast %get3A_445 : i32 to index
        %get3A_447 = arith.index_cast %mul3A_442 : i32 to index
        %get3A_448 = tpu.vector_load %arg9[%get3A_446, %get3A_447] {strides = array<i32>} : memref<16x2048xf32, #tpu.memory_space<vmem>>, vector<16xf32>,
        %sub3A = arith.subf %get3A_448, %get3A_444 : vector<16xf32>
        %mul3A_449 = arith.mulf %sub3A, %sub3A : vector<16xf32>
        %add3A_450 = arith.addf %scan3A_421, %mul3A_449 : vector<16xf32>
        %get3A_451 = arith.constant 1 : i32
        %get3A_452 = arith.index_cast %get3A_451 : i32 to index
        %get3A_453 = arith.index_cast %mul3A_442 : i32 to index
        %get3A_454 = tpu.vector_load %arg9[%get3A_452, %get3A_453] {strides = array<i32>} : memref<16x2048xf32, #tpu.memory_space<vmem>>, vector<16xf32>,
        %sub3A_455 = arith.subf %get3A_454, %get3A_444 : vector<16xf32>
        %mul3A_456 = arith.mulf %sub3A_455, %sub3A_455 : vector<16xf32>
        %add3A_457 = arith.addf %scan3A_422, %mul3A_456 : vector<16xf32>
        %get3A_458 = arith.constant 2 : i32
        %get3A_459 = arith.index_cast %get3A_458 : i32 to index
        %get3A_460 = arith.index_cast %mul3A_442 : i32 to index
        %get3A_461 = tpu.vector_load %arg9[%get3A_459, %get3A_460] {strides = array<i32>} : memref<16x2048xf32, #tpu.memory_space<vmem>>, vector<16xf32>,
        %sub3A_462 = arith.subf %get3A_461, %get3A_444 : vector<16xf32>
        %mul3A_463 = arith.mulf %sub3A_462, %sub3A_462 : vector<16xf32>
        %add3A_464 = arith.addf %scan3A_423, %mul3A_463 : vector<16xf32>
        %get3A_465 = arith.constant 3 : i32
        %get3A_466 = arith.index_cast %get3A_465 : i32 to index
        %get3A_467 = arith.index_cast %mul3A_442 : i32 to index
        %get3A_468 = tpu.vector_load %arg9[%get3A_466, %get3A_467] {strides = array<i32>} : memref<16x2048xf32, #tpu.memory_space<vmem>>, vector<16xf32>,
        %sub3A_469 = arith.subf %get3A_468, %get3A_444 : vector<16xf32>
        %mul3A_470 = arith.mulf %sub3A_469, %sub3A_469 : vector<16xf32>
        %add3A_471 = arith.addf %scan3A_424, %mul3A_470 : vector<16xf32>
        %get3A_472 = arith.constant 4 : i32
        %get3A_473 = arith.index_cast %get3A_472 : i32 to index
        %get3A_474 = arith.index_cast %mul3A_442 : i32 to index
        %get3A_475 = tpu.vector_load %arg9[%get3A_473, %get3A_474] {strides = array<i32>} : memref<16x2048xf32, #tpu.memory_space<vmem>>, vector<16xf32>,
        %sub3A_476 = arith.subf %get3A_475, %get3A_444 : vector<16xf32>
        %mul3A_477 = arith.mulf %sub3A_476, %sub3A_476 : vector<16xf32>
        %add3A_478 = arith.addf %scan3A_425, %mul3A_477 : vector<16xf32>
        %get3A_479 = arith.constant 5 : i32
        %get3A_480 = arith.index_cast %get3A_479 : i32 to index
        %get3A_481 = arith.index_cast %mul3A_442 : i32 to index
        %get3A_482 = tpu.vector_load %arg9[%get3A_480, %get3A_481] {strides = array<i32>} : memref<16x2048xf32, #tpu.memory_space<vmem>>, vector<16xf32>,
        %sub3A_483 = arith.subf %get3A_482, %get3A_444 : vector<16xf32>
        %mul3A_484 = arith.mulf %sub3A_483, %sub3A_483 : vector<16xf32>
        %add3A_485 = arith.addf %scan3A_426, %mul3A_484 : vector<16xf32>
        %get3A_486 = arith.constant 6 : i32
        %get3A_487 = arith.index_cast %get3A_486 : i32 to index
        %get3A_488 = arith.index_cast %mul3A_442 : i32 to index
        %get3A_489 = tpu.vector_load %arg9[%get3A_487, %get3A_488] {strides = array<i32>} : memref<16x2048xf32, #tpu.memory_space<vmem>>, vector<16xf32>,
        %sub3A_490 = arith.subf %get3A_489, %get3A_444 : vector<16xf32>
        %mul3A_491 = arith.mulf %sub3A_490, %sub3A_490 : vector<16xf32>
        %add3A_492 = arith.addf %scan3A_427, %mul3A_491 : vector<16xf32>
        %get3A_493 = arith.constant 7 : i32
        %get3A_494 = arith.index_cast %get3A_493 : i32 to index
        %get3A_495 = arith.index_cast %mul3A_442 : i32 to index
        %get3A_496 = tpu.vector_load %arg9[%get3A_494, %get3A_495] {strides = array<i32>} : memref<16x2048xf32, #tpu.memory_space<vmem>>, vector<16xf32>,
        %sub3A_497 = arith.subf %get3A_496, %get3A_444 : vector<16xf32>
        %mul3A_498 = arith.mulf %sub3A_497, %sub3A_497 : vector<16xf32>
        %add3A_499 = arith.addf %scan3A_428, %mul3A_498 : vector<16xf32>
        %get3A_500 = arith.constant 8 : i32
        %get3A_501 = arith.index_cast %get3A_500 : i32 to index
        %get3A_502 = arith.index_cast %mul3A_442 : i32 to index
        %get3A_503 = tpu.vector_load %arg9[%get3A_501, %get3A_502] {strides = array<i32>} : memref<16x2048xf32, #tpu.memory_space<vmem>>, vector<16xf32>,
        %sub3A_504 = arith.subf %get3A_503, %get3A_444 : vector<16xf32>
        %mul3A_505 = arith.mulf %sub3A_504, %sub3A_504 : vector<16xf32>
        %add3A_506 = arith.addf %scan3A_429, %mul3A_505 : vector<16xf32>
        %get3A_507 = arith.constant 9 : i32
        %get3A_508 = arith.index_cast %get3A_507 : i32 to index
        %get3A_509 = arith.index_cast %mul3A_442 : i32 to index
        %get3A_510 = tpu.vector_load %arg9[%get3A_508, %get3A_509] {strides = array<i32>} : memref<16x2048xf32, #tpu.memory_space<vmem>>, vector<16xf32>,
        %sub3A_511 = arith.subf %get3A_510, %get3A_444 : vector<16xf32>
        %mul3A_512 = arith.mulf %sub3A_511, %sub3A_511 : vector<16xf32>
        %add3A_513 = arith.addf %scan3A_430, %mul3A_512 : vector<16xf32>
        %get3A_514 = arith.constant 10 : i32
        %get3A_515 = arith.index_cast %get3A_514 : i32 to index
        %get3A_516 = arith.index_cast %mul3A_442 : i32 to index
        %get3A_517 = tpu.vector_load %arg9[%get3A_515, %get3A_516] {strides = array<i32>} : memref<16x2048xf32, #tpu.memory_space<vmem>>, vector<16xf32>,
        %sub3A_518 = arith.subf %get3A_517, %get3A_444 : vector<16xf32>
        %mul3A_519 = arith.mulf %sub3A_518, %sub3A_518 : vector<16xf32>
        %add3A_520 = arith.addf %scan3A_431, %mul3A_519 : vector<16xf32>
        %get3A_521 = arith.constant 11 : i32
        %get3A_522 = arith.index_cast %get3A_521 : i32 to index
        %get3A_523 = arith.index_cast %mul3A_442 : i32 to index
        %get3A_524 = tpu.vector_load %arg9[%get3A_522, %get3A_523] {strides = array<i32>} : memref<16x2048xf32, #tpu.memory_space<vmem>>, vector<16xf32>,
        %sub3A_525 = arith.subf %get3A_524, %get3A_444 : vector<16xf32>
        %mul3A_526 = arith.mulf %sub3A_525, %sub3A_525 : vector<16xf32>
        %add3A_527 = arith.addf %scan3A_432, %mul3A_526 : vector<16xf32>
        %get3A_528 = arith.constant 12 : i32
        %get3A_529 = arith.index_cast %get3A_528 : i32 to index
        %get3A_530 = arith.index_cast %mul3A_442 : i32 to index
        %get3A_531 = tpu.vector_load %arg9[%get3A_529, %get3A_530] {strides = array<i32>} : memref<16x2048xf32, #tpu.memory_space<vmem>>, vector<16xf32>,
        %sub3A_532 = arith.subf %get3A_531, %get3A_444 : vector<16xf32>
        %mul3A_533 = arith.mulf %sub3A_532, %sub3A_532 : vector<16xf32>
        %add3A_534 = arith.addf %scan3A_433, %mul3A_533 : vector<16xf32>
        %get3A_535 = arith.constant 13 : i32
        %get3A_536 = arith.index_cast %get3A_535 : i32 to index
        %get3A_537 = arith.index_cast %mul3A_442 : i32 to index
        %get3A_538 = tpu.vector_load %arg9[%get3A_536, %get3A_537] {strides = array<i32>} : memref<16x2048xf32, #tpu.memory_space<vmem>>, vector<16xf32>,
        %sub3A_539 = arith.subf %get3A_538, %get3A_444 : vector<16xf32>
        %mul3A_540 = arith.mulf %sub3A_539, %sub3A_539 : vector<16xf32>
        %add3A_541 = arith.addf %scan3A_434, %mul3A_540 : vector<16xf32>
        %get3A_542 = arith.constant 14 : i32
        %get3A_543 = arith.index_cast %get3A_542 : i32 to index
        %get3A_544 = arith.index_cast %mul3A_442 : i32 to index
        %get3A_545 = tpu.vector_load %arg9[%get3A_543, %get3A_544] {strides = array<i32>} : memref<16x2048xf32, #tpu.memory_space<vmem>>, vector<16xf32>,
        %sub3A_546 = arith.subf %get3A_545, %get3A_444 : vector<16xf32>
        %mul3A_547 = arith.mulf %sub3A_546, %sub3A_546 : vector<16xf32>
        %add3A_548 = arith.addf %scan3A_435, %mul3A_547 : vector<16xf32>
        %get3A_549 = arith.constant 15 : i32
        %get3A_550 = arith.index_cast %get3A_549 : i32 to index
        %get3A_551 = arith.index_cast %mul3A_442 : i32 to index
        %get3A_552 = tpu.vector_load %arg9[%get3A_550, %get3A_551] {strides = array<i32>} : memref<16x2048xf32, #tpu.memory_space<vmem>>, vector<16xf32>,
        %sub3A_553 = arith.subf %get3A_552, %get3A_444 : vector<16xf32>
        %mul3A_554 = arith.mulf %sub3A_553, %sub3A_553 : vector<16xf32>
        %add3A_555 = arith.addf %scan3A_436, %mul3A_554 : vector<16xf32>
        %mul3A_556 = arith.constant 2 : i32
        %mul3A_557 = arith.muli %scan3A_420, %mul3A_556 : i32
        %add3A_558 = arith.constant 1 : i32
        %add3A_559 = arith.addi %mul3A_557, %add3A_558 : i32
        %mul3A_560 = arith.constant 16 : i32
        %mul3A_561 = arith.muli %add3A_559, %mul3A_560 : i32
        %get3A_562 = arith.index_cast %mul3A_561 : i32 to index
        %get3A_563 = tpu.vector_load %arg7[%get3A_562] {strides = array<i32>} : memref<2048xf32, #tpu.memory_space<vmem>>, vector<16xf32>,
        %get3A_564 = arith.constant 0 : i32
        %get3A_565 = arith.index_cast %get3A_564 : i32 to index
        %get3A_566 = arith.index_cast %mul3A_561 : i32 to index
        %get3A_567 = tpu.vector_load %arg9[%get3A_565, %get3A_566] {strides = array<i32>} : memref<16x2048xf32, #tpu.memory_space<vmem>>, vector<16xf32>,
        %sub3A_568 = arith.subf %get3A_567, %get3A_563 : vector<16xf32>
        %mul3A_569 = arith.mulf %sub3A_568, %sub3A_568 : vector<16xf32>
        %add3A_570 = arith.addf %add3A_450, %mul3A_569 : vector<16xf32>
        %get3A_571 = arith.constant 1 : i32
        %get3A_572 = arith.index_cast %get3A_571 : i32 to index
        %get3A_573 = arith.index_cast %mul3A_561 : i32 to index
        %get3A_574 = tpu.vector_load %arg9[%get3A_572, %get3A_573] {strides = array<i32>} : memref<16x2048xf32, #tpu.memory_space<vmem>>, vector<16xf32>,
        %sub3A_575 = arith.subf %get3A_574, %get3A_563 : vector<16xf32>
        %mul3A_576 = arith.mulf %sub3A_575, %sub3A_575 : vector<16xf32>
        %add3A_577 = arith.addf %add3A_457, %mul3A_576 : vector<16xf32>
        %get3A_578 = arith.constant 2 : i32
        %get3A_579 = arith.index_cast %get3A_578 : i32 to index
        %get3A_580 = arith.index_cast %mul3A_561 : i32 to index
        %get3A_581 = tpu.vector_load %arg9[%get3A_579, %get3A_580] {strides = array<i32>} : memref<16x2048xf32, #tpu.memory_space<vmem>>, vector<16xf32>,
        %sub3A_582 = arith.subf %get3A_581, %get3A_563 : vector<16xf32>
        %mul3A_583 = arith.mulf %sub3A_582, %sub3A_582 : vector<16xf32>
        %add3A_584 = arith.addf %add3A_464, %mul3A_583 : vector<16xf32>
        %get3A_585 = arith.constant 3 : i32
        %get3A_586 = arith.index_cast %get3A_585 : i32 to index
        %get3A_587 = arith.index_cast %mul3A_561 : i32 to index
        %get3A_588 = tpu.vector_load %arg9[%get3A_586, %get3A_587] {strides = array<i32>} : memref<16x2048xf32, #tpu.memory_space<vmem>>, vector<16xf32>,
        %sub3A_589 = arith.subf %get3A_588, %get3A_563 : vector<16xf32>
        %mul3A_590 = arith.mulf %sub3A_589, %sub3A_589 : vector<16xf32>
        %add3A_591 = arith.addf %add3A_471, %mul3A_590 : vector<16xf32>
        %get3A_592 = arith.constant 4 : i32
        %get3A_593 = arith.index_cast %get3A_592 : i32 to index
        %get3A_594 = arith.index_cast %mul3A_561 : i32 to index
        %get3A_595 = tpu.vector_load %arg9[%get3A_593, %get3A_594] {strides = array<i32>} : memref<16x2048xf32, #tpu.memory_space<vmem>>, vector<16xf32>,
        %sub3A_596 = arith.subf %get3A_595, %get3A_563 : vector<16xf32>
        %mul3A_597 = arith.mulf %sub3A_596, %sub3A_596 : vector<16xf32>
        %add3A_598 = arith.addf %add3A_478, %mul3A_597 : vector<16xf32>
        %get3A_599 = arith.constant 5 : i32
        %get3A_600 = arith.index_cast %get3A_599 : i32 to index
        %get3A_601 = arith.index_cast %mul3A_561 : i32 to index
        %get3A_602 = tpu.vector_load %arg9[%get3A_600, %get3A_601] {strides = array<i32>} : memref<16x2048xf32, #tpu.memory_space<vmem>>, vector<16xf32>,
        %sub3A_603 = arith.subf %get3A_602, %get3A_563 : vector<16xf32>
        %mul3A_604 = arith.mulf %sub3A_603, %sub3A_603 : vector<16xf32>
        %add3A_605 = arith.addf %add3A_485, %mul3A_604 : vector<16xf32>
        %get3A_606 = arith.constant 6 : i32
        %get3A_607 = arith.index_cast %get3A_606 : i32 to index
        %get3A_608 = arith.index_cast %mul3A_561 : i32 to index
        %get3A_609 = tpu.vector_load %arg9[%get3A_607, %get3A_608] {strides = array<i32>} : memref<16x2048xf32, #tpu.memory_space<vmem>>, vector<16xf32>,
        %sub3A_610 = arith.subf %get3A_609, %get3A_563 : vector<16xf32>
        %mul3A_611 = arith.mulf %sub3A_610, %sub3A_610 : vector<16xf32>
        %add3A_612 = arith.addf %add3A_492, %mul3A_611 : vector<16xf32>
        %get3A_613 = arith.constant 7 : i32
        %get3A_614 = arith.index_cast %get3A_613 : i32 to index
        %get3A_615 = arith.index_cast %mul3A_561 : i32 to index
        %get3A_616 = tpu.vector_load %arg9[%get3A_614, %get3A_615] {strides = array<i32>} : memref<16x2048xf32, #tpu.memory_space<vmem>>, vector<16xf32>,
        %sub3A_617 = arith.subf %get3A_616, %get3A_563 : vector<16xf32>
        %mul3A_618 = arith.mulf %sub3A_617, %sub3A_617 : vector<16xf32>
        %add3A_619 = arith.addf %add3A_499, %mul3A_618 : vector<16xf32>
        %get3A_620 = arith.constant 8 : i32
        %get3A_621 = arith.index_cast %get3A_620 : i32 to index
        %get3A_622 = arith.index_cast %mul3A_561 : i32 to index
        %get3A_623 = tpu.vector_load %arg9[%get3A_621, %get3A_622] {strides = array<i32>} : memref<16x2048xf32, #tpu.memory_space<vmem>>, vector<16xf32>,
        %sub3A_624 = arith.subf %get3A_623, %get3A_563 : vector<16xf32>
        %mul3A_625 = arith.mulf %sub3A_624, %sub3A_624 : vector<16xf32>
        %add3A_626 = arith.addf %add3A_506, %mul3A_625 : vector<16xf32>
        %get3A_627 = arith.constant 9 : i32
        %get3A_628 = arith.index_cast %get3A_627 : i32 to index
        %get3A_629 = arith.index_cast %mul3A_561 : i32 to index
        %get3A_630 = tpu.vector_load %arg9[%get3A_628, %get3A_629] {strides = array<i32>} : memref<16x2048xf32, #tpu.memory_space<vmem>>, vector<16xf32>,
        %sub3A_631 = arith.subf %get3A_630, %get3A_563 : vector<16xf32>
        %mul3A_632 = arith.mulf %sub3A_631, %sub3A_631 : vector<16xf32>
        %add3A_633 = arith.addf %add3A_513, %mul3A_632 : vector<16xf32>
        %get3A_634 = arith.constant 10 : i32
        %get3A_635 = arith.index_cast %get3A_634 : i32 to index
        %get3A_636 = arith.index_cast %mul3A_561 : i32 to index
        %get3A_637 = tpu.vector_load %arg9[%get3A_635, %get3A_636] {strides = array<i32>} : memref<16x2048xf32, #tpu.memory_space<vmem>>, vector<16xf32>,
        %sub3A_638 = arith.subf %get3A_637, %get3A_563 : vector<16xf32>
        %mul3A_639 = arith.mulf %sub3A_638, %sub3A_638 : vector<16xf32>
        %add3A_640 = arith.addf %add3A_520, %mul3A_639 : vector<16xf32>
        %get3A_641 = arith.constant 11 : i32
        %get3A_642 = arith.index_cast %get3A_641 : i32 to index
        %get3A_643 = arith.index_cast %mul3A_561 : i32 to index
        %get3A_644 = tpu.vector_load %arg9[%get3A_642, %get3A_643] {strides = array<i32>} : memref<16x2048xf32, #tpu.memory_space<vmem>>, vector<16xf32>,
        %sub3A_645 = arith.subf %get3A_644, %get3A_563 : vector<16xf32>
        %mul3A_646 = arith.mulf %sub3A_645, %sub3A_645 : vector<16xf32>
        %add3A_647 = arith.addf %add3A_527, %mul3A_646 : vector<16xf32>
        %get3A_648 = arith.constant 12 : i32
        %get3A_649 = arith.index_cast %get3A_648 : i32 to index
        %get3A_650 = arith.index_cast %mul3A_561 : i32 to index
        %get3A_651 = tpu.vector_load %arg9[%get3A_649, %get3A_650] {strides = array<i32>} : memref<16x2048xf32, #tpu.memory_space<vmem>>, vector<16xf32>,
        %sub3A_652 = arith.subf %get3A_651, %get3A_563 : vector<16xf32>
        %mul3A_653 = arith.mulf %sub3A_652, %sub3A_652 : vector<16xf32>
        %add3A_654 = arith.addf %add3A_534, %mul3A_653 : vector<16xf32>
        %get3A_655 = arith.constant 13 : i32
        %get3A_656 = arith.index_cast %get3A_655 : i32 to index
        %get3A_657 = arith.index_cast %mul3A_561 : i32 to index
        %get3A_658 = tpu.vector_load %arg9[%get3A_656, %get3A_657] {strides = array<i32>} : memref<16x2048xf32, #tpu.memory_space<vmem>>, vector<16xf32>,
        %sub3A_659 = arith.subf %get3A_658, %get3A_563 : vector<16xf32>
        %mul3A_660 = arith.mulf %sub3A_659, %sub3A_659 : vector<16xf32>
        %add3A_661 = arith.addf %add3A_541, %mul3A_660 : vector<16xf32>
        %get3A_662 = arith.constant 14 : i32
        %get3A_663 = arith.index_cast %get3A_662 : i32 to index
        %get3A_664 = arith.index_cast %mul3A_561 : i32 to index
        %get3A_665 = tpu.vector_load %arg9[%get3A_663, %get3A_664] {strides = array<i32>} : memref<16x2048xf32, #tpu.memory_space<vmem>>, vector<16xf32>,
        %sub3A_666 = arith.subf %get3A_665, %get3A_563 : vector<16xf32>
        %mul3A_667 = arith.mulf %sub3A_666, %sub3A_666 : vector<16xf32>
        %add3A_668 = arith.addf %add3A_548, %mul3A_667 : vector<16xf32>
        %get3A_669 = arith.constant 15 : i32
        %get3A_670 = arith.index_cast %get3A_669 : i32 to index
        %get3A_671 = arith.index_cast %mul3A_561 : i32 to index
        %get3A_672 = tpu.vector_load %arg9[%get3A_670, %get3A_671] {strides = array<i32>} : memref<16x2048xf32, #tpu.memory_space<vmem>>, vector<16xf32>,
        %sub3A_673 = arith.subf %get3A_672, %get3A_563 : vector<16xf32>
        %mul3A_674 = arith.mulf %sub3A_673, %sub3A_673 : vector<16xf32>
        %add3A_675 = arith.addf %add3A_555, %mul3A_674 : vector<16xf32>
        scf.yield %add3A_570, %add3A_577, %add3A_584, %add3A_591, %add3A_598, %add3A_605, %add3A_612, %add3A_619, %add3A_626, %add3A_633, %add3A_640, %add3A_647, %add3A_654, %add3A_661, %add3A_668, %add3A_675 : vector<16xf32>, vector<16xf32>, vector<16xf32>, vector<16xf32>, vector<16xf32>, vector<16xf32>, vector<16xf32>, vector<16xf32>, vector<16xf32>, vector<16xf32>, vector<16xf32>, vector<16xf32>, vector<16xf32>, vector<16xf32>, vector<16xf32>, vector<16xf32>
      }
      %scan3A_50 = arith.constant 64 : i32
      %iota3A = tpu.iota {dimensions = array<i32: 0>} : vector<16xi32>
      %broadcast_in_dim3A_51 = arith.constant 0.000000e+00 : f32
      %broadcast_in_dim3A_52 = vector.broadcast %broadcast_in_dim3A_51 : f32 to vector<16xf32>
      %eq3A = arith.constant 0 : i32
      %eq3A_53 = vector.broadcast %eq3A : i32 to vector<16xi32>
      %eq3A_54 = arith.cmpi eq, %iota3A, %eq3A_53 : vector<16xi32>
      %reduce_sum3A = arith.constant true
      %reduce_sum3A_55 = vector.broadcast %reduce_sum3A : i1 to vector<16xi1>
      %reduce_sum3A_56 = tpu.scan <sum>, %scan3A_49#0 masked %reduce_sum3A_55 : vector<16xf32>, vector<16xi1> -> vector<16xf32>
      %reduce_sum3A_57 = vector.extract %reduce_sum3A_56[15] : f32 from vector<16xf32>
      %broadcast_in_dim3A_58 = vector.broadcast %reduce_sum3A_57 : f32 to vector<16xf32>
      %select_n3A = arith.select %eq3A_54, %broadcast_in_dim3A_58, %broadcast_in_dim3A_52 : vector<16xi1>, vector<16xf32>
      %eq3A_59 = arith.constant 1 : i32
      %eq3A_60 = vector.broadcast %eq3A_59 : i32 to vector<16xi32>
      %eq3A_61 = arith.cmpi eq, %iota3A, %eq3A_60 : vector<16xi32>
      %reduce_sum3A_62 = arith.constant true
      %reduce_sum3A_63 = vector.broadcast %reduce_sum3A_62 : i1 to vector<16xi1>
      %reduce_sum3A_64 = tpu.scan <sum>, %scan3A_49#1 masked %reduce_sum3A_63 : vector<16xf32>, vector<16xi1> -> vector<16xf32>
      %reduce_sum3A_65 = vector.extract %reduce_sum3A_64[15] : f32 from vector<16xf32>
      %broadcast_in_dim3A_66 = vector.broadcast %reduce_sum3A_65 : f32 to vector<16xf32>
      %select_n3A_67 = arith.select %eq3A_61, %broadcast_in_dim3A_66, %select_n3A : vector<16xi1>, vector<16xf32>
      %eq3A_68 = arith.constant 2 : i32
      %eq3A_69 = vector.broadcast %eq3A_68 : i32 to vector<16xi32>
      %eq3A_70 = arith.cmpi eq, %iota3A, %eq3A_69 : vector<16xi32>
      %reduce_sum3A_71 = arith.constant true
      %reduce_sum3A_72 = vector.broadcast %reduce_sum3A_71 : i1 to vector<16xi1>
      %reduce_sum3A_73 = tpu.scan <sum>, %scan3A_49#2 masked %reduce_sum3A_72 : vector<16xf32>, vector<16xi1> -> vector<16xf32>
      %reduce_sum3A_74 = vector.extract %reduce_sum3A_73[15] : f32 from vector<16xf32>
      %broadcast_in_dim3A_75 = vector.broadcast %reduce_sum3A_74 : f32 to vector<16xf32>
      %select_n3A_76 = arith.select %eq3A_70, %broadcast_in_dim3A_75, %select_n3A_67 : vector<16xi1>, vector<16xf32>
      %eq3A_77 = arith.constant 3 : i32
      %eq3A_78 = vector.broadcast %eq3A_77 : i32 to vector<16xi32>
      %eq3A_79 = arith.cmpi eq, %iota3A, %eq3A_78 : vector<16xi32>
      %reduce_sum3A_80 = arith.constant true
      %reduce_sum3A_81 = vector.broadcast %reduce_sum3A_80 : i1 to vector<16xi1>
      %reduce_sum3A_82 = tpu.scan <sum>, %scan3A_49#3 masked %reduce_sum3A_81 : vector<16xf32>, vector<16xi1> -> vector<16xf32>
      %reduce_sum3A_83 = vector.extract %reduce_sum3A_82[15] : f32 from vector<16xf32>
      %broadcast_in_dim3A_84 = vector.broadcast %reduce_sum3A_83 : f32 to vector<16xf32>
      %select_n3A_85 = arith.select %eq3A_79, %broadcast_in_dim3A_84, %select_n3A_76 : vector<16xi1>, vector<16xf32>
      %eq3A_86 = arith.constant 4 : i32
      %eq3A_87 = vector.broadcast %eq3A_86 : i32 to vector<16xi32>
      %eq3A_88 = arith.cmpi eq, %iota3A, %eq3A_87 : vector<16xi32>
      %reduce_sum3A_89 = arith.constant true
      %reduce_sum3A_90 = vector.broadcast %reduce_sum3A_89 : i1 to vector<16xi1>
      %reduce_sum3A_91 = tpu.scan <sum>, %scan3A_49#4 masked %reduce_sum3A_90 : vector<16xf32>, vector<16xi1> -> vector<16xf32>
      %reduce_sum3A_92 = vector.extract %reduce_sum3A_91[15] : f32 from vector<16xf32>
      %broadcast_in_dim3A_93 = vector.broadcast %reduce_sum3A_92 : f32 to vector<16xf32>
      %select_n3A_94 = arith.select %eq3A_88, %broadcast_in_dim3A_93, %select_n3A_85 : vector<16xi1>, vector<16xf32>
      %eq3A_95 = arith.constant 5 : i32
      %eq3A_96 = vector.broadcast %eq3A_95 : i32 to vector<16xi32>
      %eq3A_97 = arith.cmpi eq, %iota3A, %eq3A_96 : vector<16xi32>
      %reduce_sum3A_98 = arith.constant true
      %reduce_sum3A_99 = vector.broadcast %reduce_sum3A_98 : i1 to vector<16xi1>
      %reduce_sum3A_100 = tpu.scan <sum>, %scan3A_49#5 masked %reduce_sum3A_99 : vector<16xf32>, vector<16xi1> -> vector<16xf32>
      %reduce_sum3A_101 = vector.extract %reduce_sum3A_100[15] : f32 from vector<16xf32>
      %broadcast_in_dim3A_102 = vector.broadcast %reduce_sum3A_101 : f32 to vector<16xf32>
      %select_n3A_103 = arith.select %eq3A_97, %broadcast_in_dim3A_102, %select_n3A_94 : vector<16xi1>, vector<16xf32>
      %eq3A_104 = arith.constant 6 : i32
      %eq3A_105 = vector.broadcast %eq3A_104 : i32 to vector<16xi32>
      %eq3A_106 = arith.cmpi eq, %iota3A, %eq3A_105 : vector<16xi32>
      %reduce_sum3A_107 = arith.constant true
      %reduce_sum3A_108 = vector.broadcast %reduce_sum3A_107 : i1 to vector<16xi1>
      %reduce_sum3A_109 = tpu.scan <sum>, %scan3A_49#6 masked %reduce_sum3A_108 : vector<16xf32>, vector<16xi1> -> vector<16xf32>
      %reduce_sum3A_110 = vector.extract %reduce_sum3A_109[15] : f32 from vector<16xf32>
      %broadcast_in_dim3A_111 = vector.broadcast %reduce_sum3A_110 : f32 to vector<16xf32>
      %select_n3A_112 = arith.select %eq3A_106, %broadcast_in_dim3A_111, %select_n3A_103 : vector<16xi1>, vector<16xf32>
      %eq3A_113 = arith.constant 7 : i32
      %eq3A_114 = vector.broadcast %eq3A_113 : i32 to vector<16xi32>
      %eq3A_115 = arith.cmpi eq, %iota3A, %eq3A_114 : vector<16xi32>
      %reduce_sum3A_116 = arith.constant true
      %reduce_sum3A_117 = vector.broadcast %reduce_sum3A_116 : i1 to vector<16xi1>
      %reduce_sum3A_118 = tpu.scan <sum>, %scan3A_49#7 masked %reduce_sum3A_117 : vector<16xf32>, vector<16xi1> -> vector<16xf32>
      %reduce_sum3A_119 = vector.extract %reduce_sum3A_118[15] : f32 from vector<16xf32>
      %broadcast_in_dim3A_120 = vector.broadcast %reduce_sum3A_119 : f32 to vector<16xf32>
      %select_n3A_121 = arith.select %eq3A_115, %broadcast_in_dim3A_120, %select_n3A_112 : vector<16xi1>, vector<16xf32>
      %eq3A_122 = arith.constant 8 : i32
      %eq3A_123 = vector.broadcast %eq3A_122 : i32 to vector<16xi32>
      %eq3A_124 = arith.cmpi eq, %iota3A, %eq3A_123 : vector<16xi32>
      %reduce_sum3A_125 = arith.constant true
      %reduce_sum3A_126 = vector.broadcast %reduce_sum3A_125 : i1 to vector<16xi1>
      %reduce_sum3A_127 = tpu.scan <sum>, %scan3A_49#8 masked %reduce_sum3A_126 : vector<16xf32>, vector<16xi1> -> vector<16xf32>
      %reduce_sum3A_128 = vector.extract %reduce_sum3A_127[15] : f32 from vector<16xf32>
      %broadcast_in_dim3A_129 = vector.broadcast %reduce_sum3A_128 : f32 to vector<16xf32>
      %select_n3A_130 = arith.select %eq3A_124, %broadcast_in_dim3A_129, %select_n3A_121 : vector<16xi1>, vector<16xf32>
      %eq3A_131 = arith.constant 9 : i32
      %eq3A_132 = vector.broadcast %eq3A_131 : i32 to vector<16xi32>
      %eq3A_133 = arith.cmpi eq, %iota3A, %eq3A_132 : vector<16xi32>
      %reduce_sum3A_134 = arith.constant true
      %reduce_sum3A_135 = vector.broadcast %reduce_sum3A_134 : i1 to vector<16xi1>
      %reduce_sum3A_136 = tpu.scan <sum>, %scan3A_49#9 masked %reduce_sum3A_135 : vector<16xf32>, vector<16xi1> -> vector<16xf32>
      %reduce_sum3A_137 = vector.extract %reduce_sum3A_136[15] : f32 from vector<16xf32>
      %broadcast_in_dim3A_138 = vector.broadcast %reduce_sum3A_137 : f32 to vector<16xf32>
      %select_n3A_139 = arith.select %eq3A_133, %broadcast_in_dim3A_138, %select_n3A_130 : vector<16xi1>, vector<16xf32>
      %eq3A_140 = arith.constant 10 : i32
      %eq3A_141 = vector.broadcast %eq3A_140 : i32 to vector<16xi32>
      %eq3A_142 = arith.cmpi eq, %iota3A, %eq3A_141 : vector<16xi32>
      %reduce_sum3A_143 = arith.constant true
      %reduce_sum3A_144 = vector.broadcast %reduce_sum3A_143 : i1 to vector<16xi1>
      %reduce_sum3A_145 = tpu.scan <sum>, %scan3A_49#10 masked %reduce_sum3A_144 : vector<16xf32>, vector<16xi1> -> vector<16xf32>
      %reduce_sum3A_146 = vector.extract %reduce_sum3A_145[15] : f32 from vector<16xf32>
      %broadcast_in_dim3A_147 = vector.broadcast %reduce_sum3A_146 : f32 to vector<16xf32>
      %select_n3A_148 = arith.select %eq3A_142, %broadcast_in_dim3A_147, %select_n3A_139 : vector<16xi1>, vector<16xf32>
      %eq3A_149 = arith.constant 11 : i32
      %eq3A_150 = vector.broadcast %eq3A_149 : i32 to vector<16xi32>
      %eq3A_151 = arith.cmpi eq, %iota3A, %eq3A_150 : vector<16xi32>
      %reduce_sum3A_152 = arith.constant true
      %reduce_sum3A_153 = vector.broadcast %reduce_sum3A_152 : i1 to vector<16xi1>
      %reduce_sum3A_154 = tpu.scan <sum>, %scan3A_49#11 masked %reduce_sum3A_153 : vector<16xf32>, vector<16xi1> -> vector<16xf32>
      %reduce_sum3A_155 = vector.extract %reduce_sum3A_154[15] : f32 from vector<16xf32>
      %broadcast_in_dim3A_156 = vector.broadcast %reduce_sum3A_155 : f32 to vector<16xf32>
      %select_n3A_157 = arith.select %eq3A_151, %broadcast_in_dim3A_156, %select_n3A_148 : vector<16xi1>, vector<16xf32>
      %eq3A_158 = arith.constant 12 : i32
      %eq3A_159 = vector.broadcast %eq3A_158 : i32 to vector<16xi32>
      %eq3A_160 = arith.cmpi eq, %iota3A, %eq3A_159 : vector<16xi32>
      %reduce_sum3A_161 = arith.constant true
      %reduce_sum3A_162 = vector.broadcast %reduce_sum3A_161 : i1 to vector<16xi1>
      %reduce_sum3A_163 = tpu.scan <sum>, %scan3A_49#12 masked %reduce_sum3A_162 : vector<16xf32>, vector<16xi1> -> vector<16xf32>
      %reduce_sum3A_164 = vector.extract %reduce_sum3A_163[15] : f32 from vector<16xf32>
      %broadcast_in_dim3A_165 = vector.broadcast %reduce_sum3A_164 : f32 to vector<16xf32>
      %select_n3A_166 = arith.select %eq3A_160, %broadcast_in_dim3A_165, %select_n3A_157 : vector<16xi1>, vector<16xf32>
      %eq3A_167 = arith.constant 13 : i32
      %eq3A_168 = vector.broadcast %eq3A_167 : i32 to vector<16xi32>
      %eq3A_169 = arith.cmpi eq, %iota3A, %eq3A_168 : vector<16xi32>
      %reduce_sum3A_170 = arith.constant true
      %reduce_sum3A_171 = vector.broadcast %reduce_sum3A_170 : i1 to vector<16xi1>
      %reduce_sum3A_172 = tpu.scan <sum>, %scan3A_49#13 masked %reduce_sum3A_171 : vector<16xf32>, vector<16xi1> -> vector<16xf32>
      %reduce_sum3A_173 = vector.extract %reduce_sum3A_172[15] : f32 from vector<16xf32>
      %broadcast_in_dim3A_174 = vector.broadcast %reduce_sum3A_173 : f32 to vector<16xf32>
      %select_n3A_175 = arith.select %eq3A_169, %broadcast_in_dim3A_174, %select_n3A_166 : vector<16xi1>, vector<16xf32>
      %eq3A_176 = arith.constant 14 : i32
      %eq3A_177 = vector.broadcast %eq3A_176 : i32 to vector<16xi32>
      %eq3A_178 = arith.cmpi eq, %iota3A, %eq3A_177 : vector<16xi32>
      %reduce_sum3A_179 = arith.constant true
      %reduce_sum3A_180 = vector.broadcast %reduce_sum3A_179 : i1 to vector<16xi1>
      %reduce_sum3A_181 = tpu.scan <sum>, %scan3A_49#14 masked %reduce_sum3A_180 : vector<16xf32>, vector<16xi1> -> vector<16xf32>
      %reduce_sum3A_182 = vector.extract %reduce_sum3A_181[15] : f32 from vector<16xf32>
      %broadcast_in_dim3A_183 = vector.broadcast %reduce_sum3A_182 : f32 to vector<16xf32>
      %select_n3A_184 = arith.select %eq3A_178, %broadcast_in_dim3A_183, %select_n3A_175 : vector<16xi1>, vector<16xf32>
      %eq3A_185 = arith.constant 15 : i32
      %eq3A_186 = vector.broadcast %eq3A_185 : i32 to vector<16xi32>
      %eq3A_187 = arith.cmpi eq, %iota3A, %eq3A_186 : vector<16xi32>
      %reduce_sum3A_188 = arith.constant true
      %reduce_sum3A_189 = vector.broadcast %reduce_sum3A_188 : i1 to vector<16xi1>
      %reduce_sum3A_190 = tpu.scan <sum>, %scan3A_49#15 masked %reduce_sum3A_189 : vector<16xf32>, vector<16xi1> -> vector<16xf32>
      %reduce_sum3A_191 = vector.extract %reduce_sum3A_190[15] : f32 from vector<16xf32>
      %broadcast_in_dim3A_192 = vector.broadcast %reduce_sum3A_191 : f32 to vector<16xf32>
      %select_n3A_193 = arith.select %eq3A_187, %broadcast_in_dim3A_192, %select_n3A_184 : vector<16xi1>, vector<16xf32>
      %mul3A_194 = arith.constant 16 : i32
      %mul3A_195 = arith.muli %add3A_33, %mul3A_194 : i32
      %get3A = arith.index_cast %mul3A_195 : i32 to index
      %get3A_196 = tpu.vector_load %arg8[%get3A] {strides = array<i32>} : memref<128xi32, #tpu.memory_space<vmem>>, vector<16xi32>,
      %add3A_197 = arith.constant 2 : i32
      %add3A_198 = arith.addi %add3A_33, %add3A_197 : i32
      %lt3A = arith.constant 8 : i32
      %lt3A_199 = arith.cmpi slt, %add3A_198, %lt3A : i32
      %convert_element_type3A = arith.extui %lt3A_199 : i1 to i32
      %cond3A = arith.constant 0 : i32
      %cond3A_200 = arith.cmpi ne, %convert_element_type3A, %cond3A : i32
      scf.if %cond3A_200 {
        %mul3A_420 = arith.constant 16 : i32
        %mul3A_421 = arith.muli %add3A_198, %mul3A_420 : i32
        %add3A_422 = arith.constant 896 : i32
        %add3A_423 = arith.addi %add3A_422, %mul3A_421 : i32
        %dma_start3A_424 = arith.constant 0 : i32
        %dma_start3A_425 = tpu.memref_slice %arg3[%add3A, %add3A_423, %dma_start3A_424] : memref<32x1024x2048xf32, #tpu.memory_space<hbm>> -> memref<1x16x2048xf32, #tpu.memory_space<hbm>>
        %dma_start3A_426 = tpu.memref_squeeze %dma_start3A_425 : memref<1x16x2048xf32, #tpu.memory_space<hbm>> -> memref<16x2048xf32, #tpu.memory_space<hbm>>
        %dma_start3A_427 = arith.constant 0 : i32
        %dma_start3A_428 = tpu.memref_slice %arg3[%add3A, %add3A_423, %dma_start3A_427] : memref<32x1024x2048xf32, #tpu.memory_space<hbm>> -> memref<1x16x2048xf32, #tpu.memory_space<hbm>>
        %dma_start3A_429 = tpu.memref_squeeze %dma_start3A_428 : memref<1x16x2048xf32, #tpu.memory_space<hbm>> -> memref<16x2048xf32, #tpu.memory_space<hbm>>
        tpu.enqueue_dma source(%dma_start3A_429 : memref<16x2048xf32, #tpu.memory_space<hbm>>) target(%arg9 : memref<16x2048xf32, #tpu.memory_space<vmem>>) target_semaphore(%arg13 : memref<!tpu.dma_semaphore, #tpu.memory_space<semaphore_mem>>)
      } else {
      }
      %masked_sort3A = arith.constant dense<true> : vector<16xi1>
      %masked_sort3A_201, %masked_sort3A_202, %masked_sort3A_203 = tpu.sort %select_n3A_193, %get3A_196 masked %masked_sort3A : (vector<16xf32>, vector<16xi32>, vector<16xi1>) -> (vector<16xi1>, vector<16xf32>, vector<16xi32>)
      %rev3A = arith.constant 15 : i32
      %rev3A_204 = vector.broadcast %rev3A : i32 to vector<16xi32>
      %rev3A_205 = tpu.iota {dimensions = array<i32: 0>} : vector<16xi32>
      %rev3A_206 = arith.subi %rev3A_204, %rev3A_205 : vector<16xi32>
      %rev3A_207 = tpu.dynamic_gather %masked_sort3A_202[%rev3A_206] in [0] : vector<16xf32>, vector<16xi32> -> vector<16xf32>
      %rev3A_208 = arith.constant 15 : i32
      %rev3A_209 = vector.broadcast %rev3A_208 : i32 to vector<16xi32>
      %rev3A_210 = tpu.iota {dimensions = array<i32: 0>} : vector<16xi32>
      %rev3A_211 = arith.subi %rev3A_209, %rev3A_210 : vector<16xi32>
      %rev3A_212 = tpu.dynamic_gather %masked_sort3A_203[%rev3A_211] in [0] : vector<16xi32>, vector<16xi32> -> vector<16xi32>
      %le3A = arith.cmpf ole, %scan3A_28, %rev3A_207 : vector<16xf32>
      %select_n3A_213 = arith.select %le3A, %scan3A_28, %rev3A_207 : vector<16xi1>, vector<16xf32>
      %select_n3A_214 = arith.select %le3A, %scan3A_29, %rev3A_212 : vector<16xi1>, vector<16xi32>
      %masked_sort3A_215 = arith.constant dense<true> : vector<16xi1>
      %masked_sort3A_216, %masked_sort3A_217, %masked_sort3A_218 = tpu.sort %select_n3A_213, %select_n3A_214 masked %masked_sort3A_215 : (vector<16xf32>, vector<16xi32>, vector<16xi1>) -> (vector<16xi1>, vector<16xf32>, vector<16xi32>)
      %mul3A_219 = arith.constant 2 : i32
      %mul3A_220 = arith.muli %scan3A_27, %mul3A_219 : i32
      %add3A_221 = arith.constant 1 : i32
      %add3A_222 = arith.addi %mul3A_220, %add3A_221 : i32
      %mul3A_223 = arith.constant 16 : i32
      %mul3A_224 = arith.muli %add3A_222, %mul3A_223 : i32
      %add3A_225 = arith.constant 896 : i32
      %add3A_226 = arith.addi %add3A_225, %mul3A_224 : i32
      %dma_wait3A_227 = arith.constant 0 : i32
      %dma_wait3A_228 = tpu.memref_slice %arg3[%add3A, %add3A_226, %dma_wait3A_227] : memref<32x1024x2048xf32, #tpu.memory_space<hbm>> -> memref<1x16x2048xf32, #tpu.memory_space<hbm>>
      %dma_wait3A_229 = tpu.memref_squeeze %dma_wait3A_228 : memref<1x16x2048xf32, #tpu.memory_space<hbm>> -> memref<16x2048xf32, #tpu.memory_space<hbm>>
      %dma_wait3A_230 = arith.constant 0 : i32
      %dma_wait3A_231 = tpu.memref_slice %arg3[%add3A, %add3A_226, %dma_wait3A_230] : memref<32x1024x2048xf32, #tpu.memory_space<hbm>> -> memref<1x16x2048xf32, #tpu.memory_space<hbm>>
      %dma_wait3A_232 = tpu.memref_squeeze %dma_wait3A_231 : memref<1x16x2048xf32, #tpu.memory_space<hbm>> -> memref<16x2048xf32, #tpu.memory_space<hbm>>
      tpu.wait_dma2 semaphore(%arg14 : memref<!tpu.dma_semaphore, #tpu.memory_space<semaphore_mem>>) src(%dma_wait3A_232 : memref<16x2048xf32, #tpu.memory_space<hbm>>) dst(%arg10 : memref<16x2048xf32, #tpu.memory_space<vmem>>)
      %broadcast_in_dim3A_233 = arith.constant 0.000000e+00 : f32
      %broadcast_in_dim3A_234 = vector.broadcast %broadcast_in_dim3A_233 : f32 to vector<16xf32>
      %scan3A_235 = arith.constant 0 : i32
      %scan3A_236 = arith.constant 64 : i32
      %scan3A_237 = arith.addi %scan3A_235, %scan3A_236 : i32
      %scan3A_238 = arith.constant 1 : i32
      %scan3A_239:16 = scf.for %scan3A_420 = %scan3A_235 to %scan3A_237 step %scan3A_238 iter_args(%scan3A_421 = %broadcast_in_dim3A_234, %scan3A_422 = %broadcast_in_dim3A_234, %scan3A_423 = %broadcast_in_dim3A_234, %scan3A_424 = %broadcast_in_dim3A_234, %scan3A_425 = %broadcast_in_dim3A_234, %scan3A_426 = %broadcast_in_dim3A_234, %scan3A_427 = %broadcast_in_dim3A_234, %scan3A_428 = %broadcast_in_dim3A_234, %scan3A_429 = %broadcast_in_dim3A_234, %scan3A_430 = %broadcast_in_dim3A_234, %scan3A_431 = %broadcast_in_dim3A_234, %scan3A_432 = %broadcast_in_dim3A_234, %scan3A_433 = %broadcast_in_dim3A_234, %scan3A_434 = %broadcast_in_dim3A_234, %scan3A_435 = %broadcast_in_dim3A_234, %scan3A_436 = %broadcast_in_dim3A_234) -> (vector<16xf32>, vector<16xf32>, vector<16xf32>, vector<16xf32>, vector<16xf32>, vector<16xf32>, vector<16xf32>, vector<16xf32>, vector<16xf32>, vector<16xf32>, vector<16xf32>, vector<16xf32>, vector<16xf32>, vector<16xf32>, vector<16xf32>, vector<16xf32>)  : i32 {
        %mul3A_437 = arith.constant 2 : i32
        %mul3A_438 = arith.muli %scan3A_420, %mul3A_437 : i32
        %add3A_439 = arith.constant 0 : i32
        %add3A_440 = arith.addi %mul3A_438, %add3A_439 : i32
        %mul3A_441 = arith.constant 16 : i32
        %mul3A_442 = arith.muli %add3A_440, %mul3A_441 : i32
        %get3A_443 = arith.index_cast %mul3A_442 : i32 to index
        %get3A_444 = tpu.vector_load %arg7[%get3A_443] {strides = array<i32>} : memref<2048xf32, #tpu.memory_space<vmem>>, vector<16xf32>,
        %get3A_445 = arith.constant 0 : i32
        %get3A_446 = arith.index_cast %get3A_445 : i32 to index
        %get3A_447 = arith.index_cast %mul3A_442 : i32 to index
        %get3A_448 = tpu.vector_load %arg10[%get3A_446, %get3A_447] {strides = array<i32>} : memref<16x2048xf32, #tpu.memory_space<vmem>>, vector<16xf32>,
        %sub3A = arith.subf %get3A_448, %get3A_444 : vector<16xf32>
        %mul3A_449 = arith.mulf %sub3A, %sub3A : vector<16xf32>
        %add3A_450 = arith.addf %scan3A_421, %mul3A_449 : vector<16xf32>
        %get3A_451 = arith.constant 1 : i32
        %get3A_452 = arith.index_cast %get3A_451 : i32 to index
        %get3A_453 = arith.index_cast %mul3A_442 : i32 to index
        %get3A_454 = tpu.vector_load %arg10[%get3A_452, %get3A_453] {strides = array<i32>} : memref<16x2048xf32, #tpu.memory_space<vmem>>, vector<16xf32>,
        %sub3A_455 = arith.subf %get3A_454, %get3A_444 : vector<16xf32>
        %mul3A_456 = arith.mulf %sub3A_455, %sub3A_455 : vector<16xf32>
        %add3A_457 = arith.addf %scan3A_422, %mul3A_456 : vector<16xf32>
        %get3A_458 = arith.constant 2 : i32
        %get3A_459 = arith.index_cast %get3A_458 : i32 to index
        %get3A_460 = arith.index_cast %mul3A_442 : i32 to index
        %get3A_461 = tpu.vector_load %arg10[%get3A_459, %get3A_460] {strides = array<i32>} : memref<16x2048xf32, #tpu.memory_space<vmem>>, vector<16xf32>,
        %sub3A_462 = arith.subf %get3A_461, %get3A_444 : vector<16xf32>
        %mul3A_463 = arith.mulf %sub3A_462, %sub3A_462 : vector<16xf32>
        %add3A_464 = arith.addf %scan3A_423, %mul3A_463 : vector<16xf32>
        %get3A_465 = arith.constant 3 : i32
        %get3A_466 = arith.index_cast %get3A_465 : i32 to index
        %get3A_467 = arith.index_cast %mul3A_442 : i32 to index
        %get3A_468 = tpu.vector_load %arg10[%get3A_466, %get3A_467] {strides = array<i32>} : memref<16x2048xf32, #tpu.memory_space<vmem>>, vector<16xf32>,
        %sub3A_469 = arith.subf %get3A_468, %get3A_444 : vector<16xf32>
        %mul3A_470 = arith.mulf %sub3A_469, %sub3A_469 : vector<16xf32>
        %add3A_471 = arith.addf %scan3A_424, %mul3A_470 : vector<16xf32>
        %get3A_472 = arith.constant 4 : i32
        %get3A_473 = arith.index_cast %get3A_472 : i32 to index
        %get3A_474 = arith.index_cast %mul3A_442 : i32 to index
        %get3A_475 = tpu.vector_load %arg10[%get3A_473, %get3A_474] {strides = array<i32>} : memref<16x2048xf32, #tpu.memory_space<vmem>>, vector<16xf32>,
        %sub3A_476 = arith.subf %get3A_475, %get3A_444 : vector<16xf32>
        %mul3A_477 = arith.mulf %sub3A_476, %sub3A_476 : vector<16xf32>
        %add3A_478 = arith.addf %scan3A_425, %mul3A_477 : vector<16xf32>
        %get3A_479 = arith.constant 5 : i32
        %get3A_480 = arith.index_cast %get3A_479 : i32 to index
        %get3A_481 = arith.index_cast %mul3A_442 : i32 to index
        %get3A_482 = tpu.vector_load %arg10[%get3A_480, %get3A_481] {strides = array<i32>} : memref<16x2048xf32, #tpu.memory_space<vmem>>, vector<16xf32>,
        %sub3A_483 = arith.subf %get3A_482, %get3A_444 : vector<16xf32>
        %mul3A_484 = arith.mulf %sub3A_483, %sub3A_483 : vector<16xf32>
        %add3A_485 = arith.addf %scan3A_426, %mul3A_484 : vector<16xf32>
        %get3A_486 = arith.constant 6 : i32
        %get3A_487 = arith.index_cast %get3A_486 : i32 to index
        %get3A_488 = arith.index_cast %mul3A_442 : i32 to index
        %get3A_489 = tpu.vector_load %arg10[%get3A_487, %get3A_488] {strides = array<i32>} : memref<16x2048xf32, #tpu.memory_space<vmem>>, vector<16xf32>,
        %sub3A_490 = arith.subf %get3A_489, %get3A_444 : vector<16xf32>
        %mul3A_491 = arith.mulf %sub3A_490, %sub3A_490 : vector<16xf32>
        %add3A_492 = arith.addf %scan3A_427, %mul3A_491 : vector<16xf32>
        %get3A_493 = arith.constant 7 : i32
        %get3A_494 = arith.index_cast %get3A_493 : i32 to index
        %get3A_495 = arith.index_cast %mul3A_442 : i32 to index
        %get3A_496 = tpu.vector_load %arg10[%get3A_494, %get3A_495] {strides = array<i32>} : memref<16x2048xf32, #tpu.memory_space<vmem>>, vector<16xf32>,
        %sub3A_497 = arith.subf %get3A_496, %get3A_444 : vector<16xf32>
        %mul3A_498 = arith.mulf %sub3A_497, %sub3A_497 : vector<16xf32>
        %add3A_499 = arith.addf %scan3A_428, %mul3A_498 : vector<16xf32>
        %get3A_500 = arith.constant 8 : i32
        %get3A_501 = arith.index_cast %get3A_500 : i32 to index
        %get3A_502 = arith.index_cast %mul3A_442 : i32 to index
        %get3A_503 = tpu.vector_load %arg10[%get3A_501, %get3A_502] {strides = array<i32>} : memref<16x2048xf32, #tpu.memory_space<vmem>>, vector<16xf32>,
        %sub3A_504 = arith.subf %get3A_503, %get3A_444 : vector<16xf32>
        %mul3A_505 = arith.mulf %sub3A_504, %sub3A_504 : vector<16xf32>
        %add3A_506 = arith.addf %scan3A_429, %mul3A_505 : vector<16xf32>
        %get3A_507 = arith.constant 9 : i32
        %get3A_508 = arith.index_cast %get3A_507 : i32 to index
        %get3A_509 = arith.index_cast %mul3A_442 : i32 to index
        %get3A_510 = tpu.vector_load %arg10[%get3A_508, %get3A_509] {strides = array<i32>} : memref<16x2048xf32, #tpu.memory_space<vmem>>, vector<16xf32>,
        %sub3A_511 = arith.subf %get3A_510, %get3A_444 : vector<16xf32>
        %mul3A_512 = arith.mulf %sub3A_511, %sub3A_511 : vector<16xf32>
        %add3A_513 = arith.addf %scan3A_430, %mul3A_512 : vector<16xf32>
        %get3A_514 = arith.constant 10 : i32
        %get3A_515 = arith.index_cast %get3A_514 : i32 to index
        %get3A_516 = arith.index_cast %mul3A_442 : i32 to index
        %get3A_517 = tpu.vector_load %arg10[%get3A_515, %get3A_516] {strides = array<i32>} : memref<16x2048xf32, #tpu.memory_space<vmem>>, vector<16xf32>,
        %sub3A_518 = arith.subf %get3A_517, %get3A_444 : vector<16xf32>
        %mul3A_519 = arith.mulf %sub3A_518, %sub3A_518 : vector<16xf32>
        %add3A_520 = arith.addf %scan3A_431, %mul3A_519 : vector<16xf32>
        %get3A_521 = arith.constant 11 : i32
        %get3A_522 = arith.index_cast %get3A_521 : i32 to index
        %get3A_523 = arith.index_cast %mul3A_442 : i32 to index
        %get3A_524 = tpu.vector_load %arg10[%get3A_522, %get3A_523] {strides = array<i32>} : memref<16x2048xf32, #tpu.memory_space<vmem>>, vector<16xf32>,
        %sub3A_525 = arith.subf %get3A_524, %get3A_444 : vector<16xf32>
        %mul3A_526 = arith.mulf %sub3A_525, %sub3A_525 : vector<16xf32>
        %add3A_527 = arith.addf %scan3A_432, %mul3A_526 : vector<16xf32>
        %get3A_528 = arith.constant 12 : i32
        %get3A_529 = arith.index_cast %get3A_528 : i32 to index
        %get3A_530 = arith.index_cast %mul3A_442 : i32 to index
        %get3A_531 = tpu.vector_load %arg10[%get3A_529, %get3A_530] {strides = array<i32>} : memref<16x2048xf32, #tpu.memory_space<vmem>>, vector<16xf32>,
        %sub3A_532 = arith.subf %get3A_531, %get3A_444 : vector<16xf32>
        %mul3A_533 = arith.mulf %sub3A_532, %sub3A_532 : vector<16xf32>
        %add3A_534 = arith.addf %scan3A_433, %mul3A_533 : vector<16xf32>
        %get3A_535 = arith.constant 13 : i32
        %get3A_536 = arith.index_cast %get3A_535 : i32 to index
        %get3A_537 = arith.index_cast %mul3A_442 : i32 to index
        %get3A_538 = tpu.vector_load %arg10[%get3A_536, %get3A_537] {strides = array<i32>} : memref<16x2048xf32, #tpu.memory_space<vmem>>, vector<16xf32>,
        %sub3A_539 = arith.subf %get3A_538, %get3A_444 : vector<16xf32>
        %mul3A_540 = arith.mulf %sub3A_539, %sub3A_539 : vector<16xf32>
        %add3A_541 = arith.addf %scan3A_434, %mul3A_540 : vector<16xf32>
        %get3A_542 = arith.constant 14 : i32
        %get3A_543 = arith.index_cast %get3A_542 : i32 to index
        %get3A_544 = arith.index_cast %mul3A_442 : i32 to index
        %get3A_545 = tpu.vector_load %arg10[%get3A_543, %get3A_544] {strides = array<i32>} : memref<16x2048xf32, #tpu.memory_space<vmem>>, vector<16xf32>,
        %sub3A_546 = arith.subf %get3A_545, %get3A_444 : vector<16xf32>
        %mul3A_547 = arith.mulf %sub3A_546, %sub3A_546 : vector<16xf32>
        %add3A_548 = arith.addf %scan3A_435, %mul3A_547 : vector<16xf32>
        %get3A_549 = arith.constant 15 : i32
        %get3A_550 = arith.index_cast %get3A_549 : i32 to index
        %get3A_551 = arith.index_cast %mul3A_442 : i32 to index
        %get3A_552 = tpu.vector_load %arg10[%get3A_550, %get3A_551] {strides = array<i32>} : memref<16x2048xf32, #tpu.memory_space<vmem>>, vector<16xf32>,
        %sub3A_553 = arith.subf %get3A_552, %get3A_444 : vector<16xf32>
        %mul3A_554 = arith.mulf %sub3A_553, %sub3A_553 : vector<16xf32>
        %add3A_555 = arith.addf %scan3A_436, %mul3A_554 : vector<16xf32>
        %mul3A_556 = arith.constant 2 : i32
        %mul3A_557 = arith.muli %scan3A_420, %mul3A_556 : i32
        %add3A_558 = arith.constant 1 : i32
        %add3A_559 = arith.addi %mul3A_557, %add3A_558 : i32
        %mul3A_560 = arith.constant 16 : i32
        %mul3A_561 = arith.muli %add3A_559, %mul3A_560 : i32
        %get3A_562 = arith.index_cast %mul3A_561 : i32 to index
        %get3A_563 = tpu.vector_load %arg7[%get3A_562] {strides = array<i32>} : memref<2048xf32, #tpu.memory_space<vmem>>, vector<16xf32>,
        %get3A_564 = arith.constant 0 : i32
        %get3A_565 = arith.index_cast %get3A_564 : i32 to index
        %get3A_566 = arith.index_cast %mul3A_561 : i32 to index
        %get3A_567 = tpu.vector_load %arg10[%get3A_565, %get3A_566] {strides = array<i32>} : memref<16x2048xf32, #tpu.memory_space<vmem>>, vector<16xf32>,
        %sub3A_568 = arith.subf %get3A_567, %get3A_563 : vector<16xf32>
        %mul3A_569 = arith.mulf %sub3A_568, %sub3A_568 : vector<16xf32>
        %add3A_570 = arith.addf %add3A_450, %mul3A_569 : vector<16xf32>
        %get3A_571 = arith.constant 1 : i32
        %get3A_572 = arith.index_cast %get3A_571 : i32 to index
        %get3A_573 = arith.index_cast %mul3A_561 : i32 to index
        %get3A_574 = tpu.vector_load %arg10[%get3A_572, %get3A_573] {strides = array<i32>} : memref<16x2048xf32, #tpu.memory_space<vmem>>, vector<16xf32>,
        %sub3A_575 = arith.subf %get3A_574, %get3A_563 : vector<16xf32>
        %mul3A_576 = arith.mulf %sub3A_575, %sub3A_575 : vector<16xf32>
        %add3A_577 = arith.addf %add3A_457, %mul3A_576 : vector<16xf32>
        %get3A_578 = arith.constant 2 : i32
        %get3A_579 = arith.index_cast %get3A_578 : i32 to index
        %get3A_580 = arith.index_cast %mul3A_561 : i32 to index
        %get3A_581 = tpu.vector_load %arg10[%get3A_579, %get3A_580] {strides = array<i32>} : memref<16x2048xf32, #tpu.memory_space<vmem>>, vector<16xf32>,
        %sub3A_582 = arith.subf %get3A_581, %get3A_563 : vector<16xf32>
        %mul3A_583 = arith.mulf %sub3A_582, %sub3A_582 : vector<16xf32>
        %add3A_584 = arith.addf %add3A_464, %mul3A_583 : vector<16xf32>
        %get3A_585 = arith.constant 3 : i32
        %get3A_586 = arith.index_cast %get3A_585 : i32 to index
        %get3A_587 = arith.index_cast %mul3A_561 : i32 to index
        %get3A_588 = tpu.vector_load %arg10[%get3A_586, %get3A_587] {strides = array<i32>} : memref<16x2048xf32, #tpu.memory_space<vmem>>, vector<16xf32>,
        %sub3A_589 = arith.subf %get3A_588, %get3A_563 : vector<16xf32>
        %mul3A_590 = arith.mulf %sub3A_589, %sub3A_589 : vector<16xf32>
        %add3A_591 = arith.addf %add3A_471, %mul3A_590 : vector<16xf32>
        %get3A_592 = arith.constant 4 : i32
        %get3A_593 = arith.index_cast %get3A_592 : i32 to index
        %get3A_594 = arith.index_cast %mul3A_561 : i32 to index
        %get3A_595 = tpu.vector_load %arg10[%get3A_593, %get3A_594] {strides = array<i32>} : memref<16x2048xf32, #tpu.memory_space<vmem>>, vector<16xf32>,
        %sub3A_596 = arith.subf %get3A_595, %get3A_563 : vector<16xf32>
        %mul3A_597 = arith.mulf %sub3A_596, %sub3A_596 : vector<16xf32>
        %add3A_598 = arith.addf %add3A_478, %mul3A_597 : vector<16xf32>
        %get3A_599 = arith.constant 5 : i32
        %get3A_600 = arith.index_cast %get3A_599 : i32 to index
        %get3A_601 = arith.index_cast %mul3A_561 : i32 to index
        %get3A_602 = tpu.vector_load %arg10[%get3A_600, %get3A_601] {strides = array<i32>} : memref<16x2048xf32, #tpu.memory_space<vmem>>, vector<16xf32>,
        %sub3A_603 = arith.subf %get3A_602, %get3A_563 : vector<16xf32>
        %mul3A_604 = arith.mulf %sub3A_603, %sub3A_603 : vector<16xf32>
        %add3A_605 = arith.addf %add3A_485, %mul3A_604 : vector<16xf32>
        %get3A_606 = arith.constant 6 : i32
        %get3A_607 = arith.index_cast %get3A_606 : i32 to index
        %get3A_608 = arith.index_cast %mul3A_561 : i32 to index
        %get3A_609 = tpu.vector_load %arg10[%get3A_607, %get3A_608] {strides = array<i32>} : memref<16x2048xf32, #tpu.memory_space<vmem>>, vector<16xf32>,
        %sub3A_610 = arith.subf %get3A_609, %get3A_563 : vector<16xf32>
        %mul3A_611 = arith.mulf %sub3A_610, %sub3A_610 : vector<16xf32>
        %add3A_612 = arith.addf %add3A_492, %mul3A_611 : vector<16xf32>
        %get3A_613 = arith.constant 7 : i32
        %get3A_614 = arith.index_cast %get3A_613 : i32 to index
        %get3A_615 = arith.index_cast %mul3A_561 : i32 to index
        %get3A_616 = tpu.vector_load %arg10[%get3A_614, %get3A_615] {strides = array<i32>} : memref<16x2048xf32, #tpu.memory_space<vmem>>, vector<16xf32>,
        %sub3A_617 = arith.subf %get3A_616, %get3A_563 : vector<16xf32>
        %mul3A_618 = arith.mulf %sub3A_617, %sub3A_617 : vector<16xf32>
        %add3A_619 = arith.addf %add3A_499, %mul3A_618 : vector<16xf32>
        %get3A_620 = arith.constant 8 : i32
        %get3A_621 = arith.index_cast %get3A_620 : i32 to index
        %get3A_622 = arith.index_cast %mul3A_561 : i32 to index
        %get3A_623 = tpu.vector_load %arg10[%get3A_621, %get3A_622] {strides = array<i32>} : memref<16x2048xf32, #tpu.memory_space<vmem>>, vector<16xf32>,
        %sub3A_624 = arith.subf %get3A_623, %get3A_563 : vector<16xf32>
        %mul3A_625 = arith.mulf %sub3A_624, %sub3A_624 : vector<16xf32>
        %add3A_626 = arith.addf %add3A_506, %mul3A_625 : vector<16xf32>
        %get3A_627 = arith.constant 9 : i32
        %get3A_628 = arith.index_cast %get3A_627 : i32 to index
        %get3A_629 = arith.index_cast %mul3A_561 : i32 to index
        %get3A_630 = tpu.vector_load %arg10[%get3A_628, %get3A_629] {strides = array<i32>} : memref<16x2048xf32, #tpu.memory_space<vmem>>, vector<16xf32>,
        %sub3A_631 = arith.subf %get3A_630, %get3A_563 : vector<16xf32>
        %mul3A_632 = arith.mulf %sub3A_631, %sub3A_631 : vector<16xf32>
        %add3A_633 = arith.addf %add3A_513, %mul3A_632 : vector<16xf32>
        %get3A_634 = arith.constant 10 : i32
        %get3A_635 = arith.index_cast %get3A_634 : i32 to index
        %get3A_636 = arith.index_cast %mul3A_561 : i32 to index
        %get3A_637 = tpu.vector_load %arg10[%get3A_635, %get3A_636] {strides = array<i32>} : memref<16x2048xf32, #tpu.memory_space<vmem>>, vector<16xf32>,
        %sub3A_638 = arith.subf %get3A_637, %get3A_563 : vector<16xf32>
        %mul3A_639 = arith.mulf %sub3A_638, %sub3A_638 : vector<16xf32>
        %add3A_640 = arith.addf %add3A_520, %mul3A_639 : vector<16xf32>
        %get3A_641 = arith.constant 11 : i32
        %get3A_642 = arith.index_cast %get3A_641 : i32 to index
        %get3A_643 = arith.index_cast %mul3A_561 : i32 to index
        %get3A_644 = tpu.vector_load %arg10[%get3A_642, %get3A_643] {strides = array<i32>} : memref<16x2048xf32, #tpu.memory_space<vmem>>, vector<16xf32>,
        %sub3A_645 = arith.subf %get3A_644, %get3A_563 : vector<16xf32>
        %mul3A_646 = arith.mulf %sub3A_645, %sub3A_645 : vector<16xf32>
        %add3A_647 = arith.addf %add3A_527, %mul3A_646 : vector<16xf32>
        %get3A_648 = arith.constant 12 : i32
        %get3A_649 = arith.index_cast %get3A_648 : i32 to index
        %get3A_650 = arith.index_cast %mul3A_561 : i32 to index
        %get3A_651 = tpu.vector_load %arg10[%get3A_649, %get3A_650] {strides = array<i32>} : memref<16x2048xf32, #tpu.memory_space<vmem>>, vector<16xf32>,
        %sub3A_652 = arith.subf %get3A_651, %get3A_563 : vector<16xf32>
        %mul3A_653 = arith.mulf %sub3A_652, %sub3A_652 : vector<16xf32>
        %add3A_654 = arith.addf %add3A_534, %mul3A_653 : vector<16xf32>
        %get3A_655 = arith.constant 13 : i32
        %get3A_656 = arith.index_cast %get3A_655 : i32 to index
        %get3A_657 = arith.index_cast %mul3A_561 : i32 to index
        %get3A_658 = tpu.vector_load %arg10[%get3A_656, %get3A_657] {strides = array<i32>} : memref<16x2048xf32, #tpu.memory_space<vmem>>, vector<16xf32>,
        %sub3A_659 = arith.subf %get3A_658, %get3A_563 : vector<16xf32>
        %mul3A_660 = arith.mulf %sub3A_659, %sub3A_659 : vector<16xf32>
        %add3A_661 = arith.addf %add3A_541, %mul3A_660 : vector<16xf32>
        %get3A_662 = arith.constant 14 : i32
        %get3A_663 = arith.index_cast %get3A_662 : i32 to index
        %get3A_664 = arith.index_cast %mul3A_561 : i32 to index
        %get3A_665 = tpu.vector_load %arg10[%get3A_663, %get3A_664] {strides = array<i32>} : memref<16x2048xf32, #tpu.memory_space<vmem>>, vector<16xf32>,
        %sub3A_666 = arith.subf %get3A_665, %get3A_563 : vector<16xf32>
        %mul3A_667 = arith.mulf %sub3A_666, %sub3A_666 : vector<16xf32>
        %add3A_668 = arith.addf %add3A_548, %mul3A_667 : vector<16xf32>
        %get3A_669 = arith.constant 15 : i32
        %get3A_670 = arith.index_cast %get3A_669 : i32 to index
        %get3A_671 = arith.index_cast %mul3A_561 : i32 to index
        %get3A_672 = tpu.vector_load %arg10[%get3A_670, %get3A_671] {strides = array<i32>} : memref<16x2048xf32, #tpu.memory_space<vmem>>, vector<16xf32>,
        %sub3A_673 = arith.subf %get3A_672, %get3A_563 : vector<16xf32>
        %mul3A_674 = arith.mulf %sub3A_673, %sub3A_673 : vector<16xf32>
        %add3A_675 = arith.addf %add3A_555, %mul3A_674 : vector<16xf32>
        scf.yield %add3A_570, %add3A_577, %add3A_584, %add3A_591, %add3A_598, %add3A_605, %add3A_612, %add3A_619, %add3A_626, %add3A_633, %add3A_640, %add3A_647, %add3A_654, %add3A_661, %add3A_668, %add3A_675 : vector<16xf32>, vector<16xf32>, vector<16xf32>, vector<16xf32>, vector<16xf32>, vector<16xf32>, vector<16xf32>, vector<16xf32>, vector<16xf32>, vector<16xf32>, vector<16xf32>, vector<16xf32>, vector<16xf32>, vector<16xf32>, vector<16xf32>, vector<16xf32>
      }
      %scan3A_240 = arith.constant 64 : i32
      %iota3A_241 = tpu.iota {dimensions = array<i32: 0>} : vector<16xi32>
      %broadcast_in_dim3A_242 = arith.constant 0.000000e+00 : f32
      %broadcast_in_dim3A_243 = vector.broadcast %broadcast_in_dim3A_242 : f32 to vector<16xf32>
      %eq3A_244 = arith.constant 0 : i32
      %eq3A_245 = vector.broadcast %eq3A_244 : i32 to vector<16xi32>
      %eq3A_246 = arith.cmpi eq, %iota3A_241, %eq3A_245 : vector<16xi32>
      %reduce_sum3A_247 = arith.constant true
      %reduce_sum3A_248 = vector.broadcast %reduce_sum3A_247 : i1 to vector<16xi1>
      %reduce_sum3A_249 = tpu.scan <sum>, %scan3A_239#0 masked %reduce_sum3A_248 : vector<16xf32>, vector<16xi1> -> vector<16xf32>
      %reduce_sum3A_250 = vector.extract %reduce_sum3A_249[15] : f32 from vector<16xf32>
      %broadcast_in_dim3A_251 = vector.broadcast %reduce_sum3A_250 : f32 to vector<16xf32>
      %select_n3A_252 = arith.select %eq3A_246, %broadcast_in_dim3A_251, %broadcast_in_dim3A_243 : vector<16xi1>, vector<16xf32>
      %eq3A_253 = arith.constant 1 : i32
      %eq3A_254 = vector.broadcast %eq3A_253 : i32 to vector<16xi32>
      %eq3A_255 = arith.cmpi eq, %iota3A_241, %eq3A_254 : vector<16xi32>
      %reduce_sum3A_256 = arith.constant true
      %reduce_sum3A_257 = vector.broadcast %reduce_sum3A_256 : i1 to vector<16xi1>
      %reduce_sum3A_258 = tpu.scan <sum>, %scan3A_239#1 masked %reduce_sum3A_257 : vector<16xf32>, vector<16xi1> -> vector<16xf32>
      %reduce_sum3A_259 = vector.extract %reduce_sum3A_258[15] : f32 from vector<16xf32>
      %broadcast_in_dim3A_260 = vector.broadcast %reduce_sum3A_259 : f32 to vector<16xf32>
      %select_n3A_261 = arith.select %eq3A_255, %broadcast_in_dim3A_260, %select_n3A_252 : vector<16xi1>, vector<16xf32>
      %eq3A_262 = arith.constant 2 : i32
      %eq3A_263 = vector.broadcast %eq3A_262 : i32 to vector<16xi32>
      %eq3A_264 = arith.cmpi eq, %iota3A_241, %eq3A_263 : vector<16xi32>
      %reduce_sum3A_265 = arith.constant true
      %reduce_sum3A_266 = vector.broadcast %reduce_sum3A_265 : i1 to vector<16xi1>
      %reduce_sum3A_267 = tpu.scan <sum>, %scan3A_239#2 masked %reduce_sum3A_266 : vector<16xf32>, vector<16xi1> -> vector<16xf32>
      %reduce_sum3A_268 = vector.extract %reduce_sum3A_267[15] : f32 from vector<16xf32>
      %broadcast_in_dim3A_269 = vector.broadcast %reduce_sum3A_268 : f32 to vector<16xf32>
      %select_n3A_270 = arith.select %eq3A_264, %broadcast_in_dim3A_269, %select_n3A_261 : vector<16xi1>, vector<16xf32>
      %eq3A_271 = arith.constant 3 : i32
      %eq3A_272 = vector.broadcast %eq3A_271 : i32 to vector<16xi32>
      %eq3A_273 = arith.cmpi eq, %iota3A_241, %eq3A_272 : vector<16xi32>
      %reduce_sum3A_274 = arith.constant true
      %reduce_sum3A_275 = vector.broadcast %reduce_sum3A_274 : i1 to vector<16xi1>
      %reduce_sum3A_276 = tpu.scan <sum>, %scan3A_239#3 masked %reduce_sum3A_275 : vector<16xf32>, vector<16xi1> -> vector<16xf32>
      %reduce_sum3A_277 = vector.extract %reduce_sum3A_276[15] : f32 from vector<16xf32>
      %broadcast_in_dim3A_278 = vector.broadcast %reduce_sum3A_277 : f32 to vector<16xf32>
      %select_n3A_279 = arith.select %eq3A_273, %broadcast_in_dim3A_278, %select_n3A_270 : vector<16xi1>, vector<16xf32>
      %eq3A_280 = arith.constant 4 : i32
      %eq3A_281 = vector.broadcast %eq3A_280 : i32 to vector<16xi32>
      %eq3A_282 = arith.cmpi eq, %iota3A_241, %eq3A_281 : vector<16xi32>
      %reduce_sum3A_283 = arith.constant true
      %reduce_sum3A_284 = vector.broadcast %reduce_sum3A_283 : i1 to vector<16xi1>
      %reduce_sum3A_285 = tpu.scan <sum>, %scan3A_239#4 masked %reduce_sum3A_284 : vector<16xf32>, vector<16xi1> -> vector<16xf32>
      %reduce_sum3A_286 = vector.extract %reduce_sum3A_285[15] : f32 from vector<16xf32>
      %broadcast_in_dim3A_287 = vector.broadcast %reduce_sum3A_286 : f32 to vector<16xf32>
      %select_n3A_288 = arith.select %eq3A_282, %broadcast_in_dim3A_287, %select_n3A_279 : vector<16xi1>, vector<16xf32>
      %eq3A_289 = arith.constant 5 : i32
      %eq3A_290 = vector.broadcast %eq3A_289 : i32 to vector<16xi32>
      %eq3A_291 = arith.cmpi eq, %iota3A_241, %eq3A_290 : vector<16xi32>
      %reduce_sum3A_292 = arith.constant true
      %reduce_sum3A_293 = vector.broadcast %reduce_sum3A_292 : i1 to vector<16xi1>
      %reduce_sum3A_294 = tpu.scan <sum>, %scan3A_239#5 masked %reduce_sum3A_293 : vector<16xf32>, vector<16xi1> -> vector<16xf32>
      %reduce_sum3A_295 = vector.extract %reduce_sum3A_294[15] : f32 from vector<16xf32>
      %broadcast_in_dim3A_296 = vector.broadcast %reduce_sum3A_295 : f32 to vector<16xf32>
      %select_n3A_297 = arith.select %eq3A_291, %broadcast_in_dim3A_296, %select_n3A_288 : vector<16xi1>, vector<16xf32>
      %eq3A_298 = arith.constant 6 : i32
      %eq3A_299 = vector.broadcast %eq3A_298 : i32 to vector<16xi32>
      %eq3A_300 = arith.cmpi eq, %iota3A_241, %eq3A_299 : vector<16xi32>
      %reduce_sum3A_301 = arith.constant true
      %reduce_sum3A_302 = vector.broadcast %reduce_sum3A_301 : i1 to vector<16xi1>
      %reduce_sum3A_303 = tpu.scan <sum>, %scan3A_239#6 masked %reduce_sum3A_302 : vector<16xf32>, vector<16xi1> -> vector<16xf32>
      %reduce_sum3A_304 = vector.extract %reduce_sum3A_303[15] : f32 from vector<16xf32>
      %broadcast_in_dim3A_305 = vector.broadcast %reduce_sum3A_304 : f32 to vector<16xf32>
      %select_n3A_306 = arith.select %eq3A_300, %broadcast_in_dim3A_305, %select_n3A_297 : vector<16xi1>, vector<16xf32>
      %eq3A_307 = arith.constant 7 : i32
      %eq3A_308 = vector.broadcast %eq3A_307 : i32 to vector<16xi32>
      %eq3A_309 = arith.cmpi eq, %iota3A_241, %eq3A_308 : vector<16xi32>
      %reduce_sum3A_310 = arith.constant true
      %reduce_sum3A_311 = vector.broadcast %reduce_sum3A_310 : i1 to vector<16xi1>
      %reduce_sum3A_312 = tpu.scan <sum>, %scan3A_239#7 masked %reduce_sum3A_311 : vector<16xf32>, vector<16xi1> -> vector<16xf32>
      %reduce_sum3A_313 = vector.extract %reduce_sum3A_312[15] : f32 from vector<16xf32>
      %broadcast_in_dim3A_314 = vector.broadcast %reduce_sum3A_313 : f32 to vector<16xf32>
      %select_n3A_315 = arith.select %eq3A_309, %broadcast_in_dim3A_314, %select_n3A_306 : vector<16xi1>, vector<16xf32>
      %eq3A_316 = arith.constant 8 : i32
      %eq3A_317 = vector.broadcast %eq3A_316 : i32 to vector<16xi32>
      %eq3A_318 = arith.cmpi eq, %iota3A_241, %eq3A_317 : vector<16xi32>
      %reduce_sum3A_319 = arith.constant true
      %reduce_sum3A_320 = vector.broadcast %reduce_sum3A_319 : i1 to vector<16xi1>
      %reduce_sum3A_321 = tpu.scan <sum>, %scan3A_239#8 masked %reduce_sum3A_320 : vector<16xf32>, vector<16xi1> -> vector<16xf32>
      %reduce_sum3A_322 = vector.extract %reduce_sum3A_321[15] : f32 from vector<16xf32>
      %broadcast_in_dim3A_323 = vector.broadcast %reduce_sum3A_322 : f32 to vector<16xf32>
      %select_n3A_324 = arith.select %eq3A_318, %broadcast_in_dim3A_323, %select_n3A_315 : vector<16xi1>, vector<16xf32>
      %eq3A_325 = arith.constant 9 : i32
      %eq3A_326 = vector.broadcast %eq3A_325 : i32 to vector<16xi32>
      %eq3A_327 = arith.cmpi eq, %iota3A_241, %eq3A_326 : vector<16xi32>
      %reduce_sum3A_328 = arith.constant true
      %reduce_sum3A_329 = vector.broadcast %reduce_sum3A_328 : i1 to vector<16xi1>
      %reduce_sum3A_330 = tpu.scan <sum>, %scan3A_239#9 masked %reduce_sum3A_329 : vector<16xf32>, vector<16xi1> -> vector<16xf32>
      %reduce_sum3A_331 = vector.extract %reduce_sum3A_330[15] : f32 from vector<16xf32>
      %broadcast_in_dim3A_332 = vector.broadcast %reduce_sum3A_331 : f32 to vector<16xf32>
      %select_n3A_333 = arith.select %eq3A_327, %broadcast_in_dim3A_332, %select_n3A_324 : vector<16xi1>, vector<16xf32>
      %eq3A_334 = arith.constant 10 : i32
      %eq3A_335 = vector.broadcast %eq3A_334 : i32 to vector<16xi32>
      %eq3A_336 = arith.cmpi eq, %iota3A_241, %eq3A_335 : vector<16xi32>
      %reduce_sum3A_337 = arith.constant true
      %reduce_sum3A_338 = vector.broadcast %reduce_sum3A_337 : i1 to vector<16xi1>
      %reduce_sum3A_339 = tpu.scan <sum>, %scan3A_239#10 masked %reduce_sum3A_338 : vector<16xf32>, vector<16xi1> -> vector<16xf32>
      %reduce_sum3A_340 = vector.extract %reduce_sum3A_339[15] : f32 from vector<16xf32>
      %broadcast_in_dim3A_341 = vector.broadcast %reduce_sum3A_340 : f32 to vector<16xf32>
      %select_n3A_342 = arith.select %eq3A_336, %broadcast_in_dim3A_341, %select_n3A_333 : vector<16xi1>, vector<16xf32>
      %eq3A_343 = arith.constant 11 : i32
      %eq3A_344 = vector.broadcast %eq3A_343 : i32 to vector<16xi32>
      %eq3A_345 = arith.cmpi eq, %iota3A_241, %eq3A_344 : vector<16xi32>
      %reduce_sum3A_346 = arith.constant true
      %reduce_sum3A_347 = vector.broadcast %reduce_sum3A_346 : i1 to vector<16xi1>
      %reduce_sum3A_348 = tpu.scan <sum>, %scan3A_239#11 masked %reduce_sum3A_347 : vector<16xf32>, vector<16xi1> -> vector<16xf32>
      %reduce_sum3A_349 = vector.extract %reduce_sum3A_348[15] : f32 from vector<16xf32>
      %broadcast_in_dim3A_350 = vector.broadcast %reduce_sum3A_349 : f32 to vector<16xf32>
      %select_n3A_351 = arith.select %eq3A_345, %broadcast_in_dim3A_350, %select_n3A_342 : vector<16xi1>, vector<16xf32>
      %eq3A_352 = arith.constant 12 : i32
      %eq3A_353 = vector.broadcast %eq3A_352 : i32 to vector<16xi32>
      %eq3A_354 = arith.cmpi eq, %iota3A_241, %eq3A_353 : vector<16xi32>
      %reduce_sum3A_355 = arith.constant true
      %reduce_sum3A_356 = vector.broadcast %reduce_sum3A_355 : i1 to vector<16xi1>
      %reduce_sum3A_357 = tpu.scan <sum>, %scan3A_239#12 masked %reduce_sum3A_356 : vector<16xf32>, vector<16xi1> -> vector<16xf32>
      %reduce_sum3A_358 = vector.extract %reduce_sum3A_357[15] : f32 from vector<16xf32>
      %broadcast_in_dim3A_359 = vector.broadcast %reduce_sum3A_358 : f32 to vector<16xf32>
      %select_n3A_360 = arith.select %eq3A_354, %broadcast_in_dim3A_359, %select_n3A_351 : vector<16xi1>, vector<16xf32>
      %eq3A_361 = arith.constant 13 : i32
      %eq3A_362 = vector.broadcast %eq3A_361 : i32 to vector<16xi32>
      %eq3A_363 = arith.cmpi eq, %iota3A_241, %eq3A_362 : vector<16xi32>
      %reduce_sum3A_364 = arith.constant true
      %reduce_sum3A_365 = vector.broadcast %reduce_sum3A_364 : i1 to vector<16xi1>
      %reduce_sum3A_366 = tpu.scan <sum>, %scan3A_239#13 masked %reduce_sum3A_365 : vector<16xf32>, vector<16xi1> -> vector<16xf32>
      %reduce_sum3A_367 = vector.extract %reduce_sum3A_366[15] : f32 from vector<16xf32>
      %broadcast_in_dim3A_368 = vector.broadcast %reduce_sum3A_367 : f32 to vector<16xf32>
      %select_n3A_369 = arith.select %eq3A_363, %broadcast_in_dim3A_368, %select_n3A_360 : vector<16xi1>, vector<16xf32>
      %eq3A_370 = arith.constant 14 : i32
      %eq3A_371 = vector.broadcast %eq3A_370 : i32 to vector<16xi32>
      %eq3A_372 = arith.cmpi eq, %iota3A_241, %eq3A_371 : vector<16xi32>
      %reduce_sum3A_373 = arith.constant true
      %reduce_sum3A_374 = vector.broadcast %reduce_sum3A_373 : i1 to vector<16xi1>
      %reduce_sum3A_375 = tpu.scan <sum>, %scan3A_239#14 masked %reduce_sum3A_374 : vector<16xf32>, vector<16xi1> -> vector<16xf32>
      %reduce_sum3A_376 = vector.extract %reduce_sum3A_375[15] : f32 from vector<16xf32>
      %broadcast_in_dim3A_377 = vector.broadcast %reduce_sum3A_376 : f32 to vector<16xf32>
      %select_n3A_378 = arith.select %eq3A_372, %broadcast_in_dim3A_377, %select_n3A_369 : vector<16xi1>, vector<16xf32>
      %eq3A_379 = arith.constant 15 : i32
      %eq3A_380 = vector.broadcast %eq3A_379 : i32 to vector<16xi32>
      %eq3A_381 = arith.cmpi eq, %iota3A_241, %eq3A_380 : vector<16xi32>
      %reduce_sum3A_382 = arith.constant true
      %reduce_sum3A_383 = vector.broadcast %reduce_sum3A_382 : i1 to vector<16xi1>
      %reduce_sum3A_384 = tpu.scan <sum>, %scan3A_239#15 masked %reduce_sum3A_383 : vector<16xf32>, vector<16xi1> -> vector<16xf32>
      %reduce_sum3A_385 = vector.extract %reduce_sum3A_384[15] : f32 from vector<16xf32>
      %broadcast_in_dim3A_386 = vector.broadcast %reduce_sum3A_385 : f32 to vector<16xf32>
      %select_n3A_387 = arith.select %eq3A_381, %broadcast_in_dim3A_386, %select_n3A_378 : vector<16xi1>, vector<16xf32>
      %mul3A_388 = arith.constant 16 : i32
      %mul3A_389 = arith.muli %add3A_222, %mul3A_388 : i32
      %get3A_390 = arith.index_cast %mul3A_389 : i32 to index
      %get3A_391 = tpu.vector_load %arg8[%get3A_390] {strides = array<i32>} : memref<128xi32, #tpu.memory_space<vmem>>, vector<16xi32>,
      %add3A_392 = arith.constant 2 : i32
      %add3A_393 = arith.addi %add3A_222, %add3A_392 : i32
      %lt3A_394 = arith.constant 8 : i32
      %lt3A_395 = arith.cmpi slt, %add3A_393, %lt3A_394 : i32
      %convert_element_type3A_396 = arith.extui %lt3A_395 : i1 to i32
      %cond3A_397 = arith.constant 0 : i32
      %cond3A_398 = arith.cmpi ne, %convert_element_type3A_396, %cond3A_397 : i32
      scf.if %cond3A_398 {
        %mul3A_420 = arith.constant 16 : i32
        %mul3A_421 = arith.muli %add3A_393, %mul3A_420 : i32
        %add3A_422 = arith.constant 896 : i32
        %add3A_423 = arith.addi %add3A_422, %mul3A_421 : i32
        %dma_start3A_424 = arith.constant 0 : i32
        %dma_start3A_425 = tpu.memref_slice %arg3[%add3A, %add3A_423, %dma_start3A_424] : memref<32x1024x2048xf32, #tpu.memory_space<hbm>> -> memref<1x16x2048xf32, #tpu.memory_space<hbm>>
        %dma_start3A_426 = tpu.memref_squeeze %dma_start3A_425 : memref<1x16x2048xf32, #tpu.memory_space<hbm>> -> memref<16x2048xf32, #tpu.memory_space<hbm>>
        %dma_start3A_427 = arith.constant 0 : i32
        %dma_start3A_428 = tpu.memref_slice %arg3[%add3A, %add3A_423, %dma_start3A_427] : memref<32x1024x2048xf32, #tpu.memory_space<hbm>> -> memref<1x16x2048xf32, #tpu.memory_space<hbm>>
        %dma_start3A_429 = tpu.memref_squeeze %dma_start3A_428 : memref<1x16x2048xf32, #tpu.memory_space<hbm>> -> memref<16x2048xf32, #tpu.memory_space<hbm>>
        tpu.enqueue_dma source(%dma_start3A_429 : memref<16x2048xf32, #tpu.memory_space<hbm>>) target(%arg10 : memref<16x2048xf32, #tpu.memory_space<vmem>>) target_semaphore(%arg14 : memref<!tpu.dma_semaphore, #tpu.memory_space<semaphore_mem>>)
      } else {
      }
      %masked_sort3A_399 = arith.constant dense<true> : vector<16xi1>
      %masked_sort3A_400, %masked_sort3A_401, %masked_sort3A_402 = tpu.sort %select_n3A_387, %get3A_391 masked %masked_sort3A_399 : (vector<16xf32>, vector<16xi32>, vector<16xi1>) -> (vector<16xi1>, vector<16xf32>, vector<16xi32>)
      %rev3A_403 = arith.constant 15 : i32
      %rev3A_404 = vector.broadcast %rev3A_403 : i32 to vector<16xi32>
      %rev3A_405 = tpu.iota {dimensions = array<i32: 0>} : vector<16xi32>
      %rev3A_406 = arith.subi %rev3A_404, %rev3A_405 : vector<16xi32>
      %rev3A_407 = tpu.dynamic_gather %masked_sort3A_401[%rev3A_406] in [0] : vector<16xf32>, vector<16xi32> -> vector<16xf32>
      %rev3A_408 = arith.constant 15 : i32
      %rev3A_409 = vector.broadcast %rev3A_408 : i32 to vector<16xi32>
      %rev3A_410 = tpu.iota {dimensions = array<i32: 0>} : vector<16xi32>
      %rev3A_411 = arith.subi %rev3A_409, %rev3A_410 : vector<16xi32>
      %rev3A_412 = tpu.dynamic_gather %masked_sort3A_402[%rev3A_411] in [0] : vector<16xi32>, vector<16xi32> -> vector<16xi32>
      %le3A_413 = arith.cmpf ole, %masked_sort3A_217, %rev3A_407 : vector<16xf32>
      %select_n3A_414 = arith.select %le3A_413, %masked_sort3A_217, %rev3A_407 : vector<16xi1>, vector<16xf32>
      %select_n3A_415 = arith.select %le3A_413, %masked_sort3A_218, %rev3A_412 : vector<16xi1>, vector<16xi32>
      %masked_sort3A_416 = arith.constant dense<true> : vector<16xi1>
      %masked_sort3A_417, %masked_sort3A_418, %masked_sort3A_419 = tpu.sort %select_n3A_414, %select_n3A_415 masked %masked_sort3A_416 : (vector<16xf32>, vector<16xi32>, vector<16xi1>) -> (vector<16xi1>, vector<16xf32>, vector<16xi32>)
      scf.yield %masked_sort3A_418, %masked_sort3A_419 : vector<16xf32>, vector<16xi32>
    }
    %scan3A_23 = arith.constant 4 : i32
    %swap3A = arith.constant 0 : index
    %swap3A_24 = tpu.vector_load %arg11[%swap3A] {strides = array<i32>} : memref<16xf32, #tpu.memory_space<vmem>>, vector<16xf32>,
    tpu.vector_store %arg11[%swap3A], %scan3A_22#0 {strides = array<i32>} : memref<16xf32, #tpu.memory_space<vmem>>, vector<16xf32>,
    %swap3A_25 = arith.constant 0 : index
    %swap3A_26 = tpu.vector_load %arg12[%swap3A_25] {strides = array<i32>} : memref<16xi32, #tpu.memory_space<vmem>>, vector<16xi32>,
    tpu.vector_store %arg12[%swap3A_25], %scan3A_22#1 {strides = array<i32>} : memref<16xi32, #tpu.memory_space<vmem>>, vector<16xi32>,
    "tpu.region"() ({
      %run_scoped3A = tpu.sem_alloc : memref<!tpu.dma_semaphore, #tpu.memory_space<semaphore_mem>>
      %dma_start3A_27 = arith.constant 0 : i32
      %dma_start3A_28 = tpu.memref_slice %arg5[%add3A, %dma_start3A_27] : memref<32x16xf32, #tpu.memory_space<hbm>> -> memref<1x16xf32, #tpu.memory_space<hbm>>
      %dma_start3A_29 = tpu.memref_squeeze %dma_start3A_28 : memref<1x16xf32, #tpu.memory_space<hbm>> -> memref<16xf32, #tpu.memory_space<hbm>>
      %dma_start3A_30 = arith.constant 0 : i32
      %dma_start3A_31 = tpu.memref_slice %arg5[%add3A, %dma_start3A_30] : memref<32x16xf32, #tpu.memory_space<hbm>> -> memref<1x16xf32, #tpu.memory_space<hbm>>
      %dma_start3A_32 = tpu.memref_squeeze %dma_start3A_31 : memref<1x16xf32, #tpu.memory_space<hbm>> -> memref<16xf32, #tpu.memory_space<hbm>>
      tpu.enqueue_dma source(%arg11 : memref<16xf32, #tpu.memory_space<vmem>>) target(%dma_start3A_32 : memref<16xf32, #tpu.memory_space<hbm>>) target_semaphore(%run_scoped3A : memref<!tpu.dma_semaphore, #tpu.memory_space<semaphore_mem>>)
      %dma_wait3A = arith.constant 0 : i32
      %dma_wait3A_33 = tpu.memref_slice %arg5[%add3A, %dma_wait3A] : memref<32x16xf32, #tpu.memory_space<hbm>> -> memref<1x16xf32, #tpu.memory_space<hbm>>
      %dma_wait3A_34 = tpu.memref_squeeze %dma_wait3A_33 : memref<1x16xf32, #tpu.memory_space<hbm>> -> memref<16xf32, #tpu.memory_space<hbm>>
      %dma_wait3A_35 = arith.constant 0 : i32
      %dma_wait3A_36 = tpu.memref_slice %arg5[%add3A, %dma_wait3A_35] : memref<32x16xf32, #tpu.memory_space<hbm>> -> memref<1x16xf32, #tpu.memory_space<hbm>>
      %dma_wait3A_37 = tpu.memref_squeeze %dma_wait3A_36 : memref<1x16xf32, #tpu.memory_space<hbm>> -> memref<16xf32, #tpu.memory_space<hbm>>
      tpu.wait_dma2 semaphore(%run_scoped3A : memref<!tpu.dma_semaphore, #tpu.memory_space<semaphore_mem>>) src(%arg11 : memref<16xf32, #tpu.memory_space<vmem>>) dst(%dma_wait3A_37 : memref<16xf32, #tpu.memory_space<hbm>>)
      tpu.yield
    }) : () -> ()
    "tpu.region"() ({
      %run_scoped3A = tpu.sem_alloc : memref<!tpu.dma_semaphore, #tpu.memory_space<semaphore_mem>>
      %dma_start3A_27 = arith.constant 0 : i32
      %dma_start3A_28 = tpu.memref_slice %arg6[%add3A, %dma_start3A_27] : memref<32x16xi32, #tpu.memory_space<hbm>> -> memref<1x16xi32, #tpu.memory_space<hbm>>
      %dma_start3A_29 = tpu.memref_squeeze %dma_start3A_28 : memref<1x16xi32, #tpu.memory_space<hbm>> -> memref<16xi32, #tpu.memory_space<hbm>>
      %dma_start3A_30 = arith.constant 0 : i32
      %dma_start3A_31 = tpu.memref_slice %arg6[%add3A, %dma_start3A_30] : memref<32x16xi32, #tpu.memory_space<hbm>> -> memref<1x16xi32, #tpu.memory_space<hbm>>
      %dma_start3A_32 = tpu.memref_squeeze %dma_start3A_31 : memref<1x16xi32, #tpu.memory_space<hbm>> -> memref<16xi32, #tpu.memory_space<hbm>>
      tpu.enqueue_dma source(%arg12 : memref<16xi32, #tpu.memory_space<vmem>>) target(%dma_start3A_32 : memref<16xi32, #tpu.memory_space<hbm>>) target_semaphore(%run_scoped3A : memref<!tpu.dma_semaphore, #tpu.memory_space<semaphore_mem>>)
      %dma_wait3A = arith.constant 0 : i32
      %dma_wait3A_33 = tpu.memref_slice %arg6[%add3A, %dma_wait3A] : memref<32x16xi32, #tpu.memory_space<hbm>> -> memref<1x16xi32, #tpu.memory_space<hbm>>
      %dma_wait3A_34 = tpu.memref_squeeze %dma_wait3A_33 : memref<1x16xi32, #tpu.memory_space<hbm>> -> memref<16xi32, #tpu.memory_space<hbm>>
      %dma_wait3A_35 = arith.constant 0 : i32
      %dma_wait3A_36 = tpu.memref_slice %arg6[%add3A, %dma_wait3A_35] : memref<32x16xi32, #tpu.memory_space<hbm>> -> memref<1x16xi32, #tpu.memory_space<hbm>>
      %dma_wait3A_37 = tpu.memref_squeeze %dma_wait3A_36 : memref<1x16xi32, #tpu.memory_space<hbm>> -> memref<16xi32, #tpu.memory_space<hbm>>
      tpu.wait_dma2 semaphore(%run_scoped3A : memref<!tpu.dma_semaphore, #tpu.memory_space<semaphore_mem>>) src(%arg12 : memref<16xi32, #tpu.memory_space<vmem>>) dst(%dma_wait3A_37 : memref<16xi32, #tpu.memory_space<hbm>>)
      tpu.yield
    }) : () -> ()
    return
  }
}

module attributes {stable_mosaic.version = 14 : i64} {
  func.func @_tc_body(%arg0: i32, %arg1: i32, %arg2: memref<8x2048xf32, #tpu.memory_space<vmem>>, %arg3: memref<8x128x2048xf32, #tpu.memory_space<vmem>>, %arg4: memref<8x128xf32, #tpu.memory_space<vmem>>) attributes {dimension_semantics = [#tpu.dimension_semantics<arbitrary>, #tpu.dimension_semantics<arbitrary>], iteration_bounds = array<i64: 4, 7>, scalar_prefetch = 0 : i64, scratch_operands = 0 : i64, tpu.core_type = #tpu.core_type<tc>, window_params = [{transform_indices = @transform_0, window_bounds = array<i64: 8, 2048>}, {transform_indices = @transform_1, window_bounds = array<i64: 8, 128, 2048>}, {transform_indices = @transform_2, window_bounds = array<i64: 8, 128>}]} {
    %get3A = arith.constant 0 : index
    %get3A_0 = arith.constant 0 : index
    %get3A_1 = arith.constant 0 : index
    %get3A_2 = vector.load %arg3[%get3A, %get3A_0, %get3A_1] : memref<8x128x2048xf32, #tpu.memory_space<vmem>>, vector<8x128x2048xf32>
    %get3A_3 = arith.constant 0 : index
    %get3A_4 = arith.constant 0 : index
    %get3A_5 = vector.load %arg2[%get3A_3, %get3A_4] : memref<8x2048xf32, #tpu.memory_space<vmem>>, vector<8x2048xf32>
    %broadcast_in_dim3A = vector.shape_cast %get3A_5 : vector<8x2048xf32> to vector<8x1x2048xf32>
    %sub3A = vector.broadcast %broadcast_in_dim3A : vector<8x1x2048xf32> to vector<8x128x2048xf32>
    %sub3A_6 = arith.subf %get3A_2, %sub3A : vector<8x128x2048xf32>
    %mul3A = arith.mulf %sub3A_6, %sub3A_6 : vector<8x128x2048xf32>
    %reduce_sum3A = arith.constant dense<0.000000e+00> : vector<8x128xf32>
    %reduce_sum3A_7 = vector.multi_reduction <add>, %mul3A, %reduce_sum3A [2] : vector<8x128x2048xf32> to vector<8x128xf32>
    %swap3A = arith.constant 0 : index
    %swap3A_8 = arith.constant 0 : index
    %swap3A_9 = vector.load %arg4[%swap3A, %swap3A_8] : memref<8x128xf32, #tpu.memory_space<vmem>>, vector<8x128xf32>
    tpu.vector_store %arg4[%swap3A, %swap3A_8], %reduce_sum3A_7 {strides = array<i32>} : memref<8x128xf32, #tpu.memory_space<vmem>>, vector<8x128xf32>,
    return
  }
  func.func @transform_0(%arg0: i32, %arg1: i32) -> (i32, i32) {
    %c0_i32 = arith.constant 0 : i32
    %c0_i32_0 = arith.constant 0 : i32
    return %arg0, %c0_i32 : i32, i32
  }
  func.func @transform_1(%arg0: i32, %arg1: i32) -> (i32, i32, i32) {
    %c0_i32 = arith.constant 0 : i32
    %c0_i32_0 = arith.constant 0 : i32
    return %arg0, %arg1, %c0_i32 : i32, i32, i32
  }
  func.func @transform_2(%arg0: i32, %arg1: i32) -> (i32, i32) {
    %c0_i32 = arith.constant 0 : i32
    return %arg0, %arg1 : i32, i32
  }
}

module attributes {stable_mosaic.version = 14 : i64} {
  func.func @_tc_finish_body(%arg0: memref<32x896xf32, #tpu.memory_space<vmem>>, %arg1: memref<32x1024xi32, #tpu.memory_space<vmem>>, %arg2: memref<32x16xf32, #tpu.memory_space<vmem>>, %arg3: memref<32x16xi32, #tpu.memory_space<vmem>>, %arg4: memref<32x16xf32, #tpu.memory_space<vmem>>) attributes {dimension_semantics = [], scalar_prefetch = 0 : i64, scratch_operands = 0 : i64, tpu.core_type = #tpu.core_type<tc>} {
    %get3A = arith.constant 0 : index
    %get3A_0 = arith.constant 0 : index
    %get3A_1 = vector.load %arg0[%get3A, %get3A_0] : memref<32x896xf32, #tpu.memory_space<vmem>>, vector<32x896xf32>
    %get3A_2 = arith.constant 0 : index
    %get3A_3 = arith.constant 0 : index
    %get3A_4 = vector.load %arg2[%get3A_2, %get3A_3] : memref<32x16xf32, #tpu.memory_space<vmem>>, vector<32x16xf32>
    %concatenate3A = tpu.concatenate %get3A_1, %get3A_4 in 1 : vector<32x896xf32>, vector<32x16xf32> -> vector<32x912xf32>
    %get3A_5 = arith.constant 0 : index
    %get3A_6 = arith.constant 0 : index
    %get3A_7 = vector.load %arg1[%get3A_5, %get3A_6] : memref<32x1024xi32, #tpu.memory_space<vmem>>, vector<32x1024xi32>
    %slice3A = vector.extract_strided_slice %get3A_7 {offsets = [0, 0], sizes = [32, 896], strides = [1, 1]} : vector<32x1024xi32> to vector<32x896xi32>
    %get3A_8 = arith.constant 0 : index
    %get3A_9 = arith.constant 0 : index
    %get3A_10 = vector.load %arg3[%get3A_8, %get3A_9] : memref<32x16xi32, #tpu.memory_space<vmem>>, vector<32x16xi32>
    %concatenate3A_11 = tpu.concatenate %slice3A, %get3A_10 in 1 : vector<32x896xi32>, vector<32x16xi32> -> vector<32x912xi32>
    %iota3A = tpu.iota {dimensions = array<i32: 1>} : vector<32x912xi32>
    %reduce_min3A = arith.constant dense<0x7F800000> : vector<32xf32>
    %reduce_min3A_12 = vector.multi_reduction <minimumf>, %concatenate3A, %reduce_min3A [1] : vector<32x912xf32> to vector<32xf32>
    %broadcast_in_dim3A = vector.shape_cast %reduce_min3A_12 : vector<32xf32> to vector<32x1xf32>
    %eq3A = vector.broadcast %broadcast_in_dim3A : vector<32x1xf32> to vector<32x912xf32>
    %eq3A_13 = arith.cmpf oeq, %concatenate3A, %eq3A : vector<32x912xf32>
    %jit3A = arith.constant 912 : i32
    %broadcast_in_dim3A_14 = vector.broadcast %jit3A : i32 to vector<32x912xi32>
    %select_n3A = arith.select %eq3A_13, %iota3A, %broadcast_in_dim3A_14 : vector<32x912xi1>, vector<32x912xi32>
    %reduce_min3A_15 = arith.constant dense<2147483647> : vector<32xi32>
    %reduce_min3A_16 = vector.multi_reduction <minsi>, %select_n3A, %reduce_min3A_15 [1] : vector<32x912xi32> to vector<32xi32>
    %broadcast_in_dim3A_17 = vector.shape_cast %reduce_min3A_16 : vector<32xi32> to vector<32x1xi32>
    %eq3A_18 = vector.broadcast %broadcast_in_dim3A_17 : vector<32x1xi32> to vector<32x912xi32>
    %eq3A_19 = arith.cmpi eq, %iota3A, %eq3A_18 : vector<32x912xi32>
    %jit3A_20 = arith.constant 0 : i32
    %broadcast_in_dim3A_21 = vector.broadcast %jit3A_20 : i32 to vector<32x912xi32>
    %select_n3A_22 = arith.select %eq3A_19, %concatenate3A_11, %broadcast_in_dim3A_21 : vector<32x912xi1>, vector<32x912xi32>
    %reduce_sum3A = arith.constant dense<0> : vector<32xi32>
    %reduce_sum3A_23 = vector.multi_reduction <add>, %select_n3A_22, %reduce_sum3A [1] : vector<32x912xi32> to vector<32xi32>
    %broadcast_in_dim3A_24 = vector.shape_cast %reduce_sum3A_23 : vector<32xi32> to vector<32x1xi32>
    %jit3A_25 = arith.constant 3.000000e+38 : f32
    %broadcast_in_dim3A_26 = vector.broadcast %jit3A_25 : f32 to vector<32x912xf32>
    %select_n3A_27 = arith.select %eq3A_19, %broadcast_in_dim3A_26, %concatenate3A : vector<32x912xi1>, vector<32x912xf32>
    %reduce_min3A_28 = arith.constant dense<0x7F800000> : vector<32xf32>
    %reduce_min3A_29 = vector.multi_reduction <minimumf>, %select_n3A_27, %reduce_min3A_28 [1] : vector<32x912xf32> to vector<32xf32>
    %broadcast_in_dim3A_30 = vector.shape_cast %reduce_min3A_29 : vector<32xf32> to vector<32x1xf32>
    %eq3A_31 = vector.broadcast %broadcast_in_dim3A_30 : vector<32x1xf32> to vector<32x912xf32>
    %eq3A_32 = arith.cmpf oeq, %select_n3A_27, %eq3A_31 : vector<32x912xf32>
    %jit3A_33 = arith.constant 912 : i32
    %broadcast_in_dim3A_34 = vector.broadcast %jit3A_33 : i32 to vector<32x912xi32>
    %select_n3A_35 = arith.select %eq3A_32, %iota3A, %broadcast_in_dim3A_34 : vector<32x912xi1>, vector<32x912xi32>
    %reduce_min3A_36 = arith.constant dense<2147483647> : vector<32xi32>
    %reduce_min3A_37 = vector.multi_reduction <minsi>, %select_n3A_35, %reduce_min3A_36 [1] : vector<32x912xi32> to vector<32xi32>
    %broadcast_in_dim3A_38 = vector.shape_cast %reduce_min3A_37 : vector<32xi32> to vector<32x1xi32>
    %eq3A_39 = vector.broadcast %broadcast_in_dim3A_38 : vector<32x1xi32> to vector<32x912xi32>
    %eq3A_40 = arith.cmpi eq, %iota3A, %eq3A_39 : vector<32x912xi32>
    %jit3A_41 = arith.constant 0 : i32
    %broadcast_in_dim3A_42 = vector.broadcast %jit3A_41 : i32 to vector<32x912xi32>
    %select_n3A_43 = arith.select %eq3A_40, %concatenate3A_11, %broadcast_in_dim3A_42 : vector<32x912xi1>, vector<32x912xi32>
    %reduce_sum3A_44 = arith.constant dense<0> : vector<32xi32>
    %reduce_sum3A_45 = vector.multi_reduction <add>, %select_n3A_43, %reduce_sum3A_44 [1] : vector<32x912xi32> to vector<32xi32>
    %broadcast_in_dim3A_46 = vector.shape_cast %reduce_sum3A_45 : vector<32xi32> to vector<32x1xi32>
    %jit3A_47 = arith.constant 3.000000e+38 : f32
    %broadcast_in_dim3A_48 = vector.broadcast %jit3A_47 : f32 to vector<32x912xf32>
    %select_n3A_49 = arith.select %eq3A_40, %broadcast_in_dim3A_48, %select_n3A_27 : vector<32x912xi1>, vector<32x912xf32>
    %reduce_min3A_50 = arith.constant dense<0x7F800000> : vector<32xf32>
    %reduce_min3A_51 = vector.multi_reduction <minimumf>, %select_n3A_49, %reduce_min3A_50 [1] : vector<32x912xf32> to vector<32xf32>
    %broadcast_in_dim3A_52 = vector.shape_cast %reduce_min3A_51 : vector<32xf32> to vector<32x1xf32>
    %eq3A_53 = vector.broadcast %broadcast_in_dim3A_52 : vector<32x1xf32> to vector<32x912xf32>
    %eq3A_54 = arith.cmpf oeq, %select_n3A_49, %eq3A_53 : vector<32x912xf32>
    %jit3A_55 = arith.constant 912 : i32
    %broadcast_in_dim3A_56 = vector.broadcast %jit3A_55 : i32 to vector<32x912xi32>
    %select_n3A_57 = arith.select %eq3A_54, %iota3A, %broadcast_in_dim3A_56 : vector<32x912xi1>, vector<32x912xi32>
    %reduce_min3A_58 = arith.constant dense<2147483647> : vector<32xi32>
    %reduce_min3A_59 = vector.multi_reduction <minsi>, %select_n3A_57, %reduce_min3A_58 [1] : vector<32x912xi32> to vector<32xi32>
    %broadcast_in_dim3A_60 = vector.shape_cast %reduce_min3A_59 : vector<32xi32> to vector<32x1xi32>
    %eq3A_61 = vector.broadcast %broadcast_in_dim3A_60 : vector<32x1xi32> to vector<32x912xi32>
    %eq3A_62 = arith.cmpi eq, %iota3A, %eq3A_61 : vector<32x912xi32>
    %jit3A_63 = arith.constant 0 : i32
    %broadcast_in_dim3A_64 = vector.broadcast %jit3A_63 : i32 to vector<32x912xi32>
    %select_n3A_65 = arith.select %eq3A_62, %concatenate3A_11, %broadcast_in_dim3A_64 : vector<32x912xi1>, vector<32x912xi32>
    %reduce_sum3A_66 = arith.constant dense<0> : vector<32xi32>
    %reduce_sum3A_67 = vector.multi_reduction <add>, %select_n3A_65, %reduce_sum3A_66 [1] : vector<32x912xi32> to vector<32xi32>
    %broadcast_in_dim3A_68 = vector.shape_cast %reduce_sum3A_67 : vector<32xi32> to vector<32x1xi32>
    %jit3A_69 = arith.constant 3.000000e+38 : f32
    %broadcast_in_dim3A_70 = vector.broadcast %jit3A_69 : f32 to vector<32x912xf32>
    %select_n3A_71 = arith.select %eq3A_62, %broadcast_in_dim3A_70, %select_n3A_49 : vector<32x912xi1>, vector<32x912xf32>
    %reduce_min3A_72 = arith.constant dense<0x7F800000> : vector<32xf32>
    %reduce_min3A_73 = vector.multi_reduction <minimumf>, %select_n3A_71, %reduce_min3A_72 [1] : vector<32x912xf32> to vector<32xf32>
    %broadcast_in_dim3A_74 = vector.shape_cast %reduce_min3A_73 : vector<32xf32> to vector<32x1xf32>
    %eq3A_75 = vector.broadcast %broadcast_in_dim3A_74 : vector<32x1xf32> to vector<32x912xf32>
    %eq3A_76 = arith.cmpf oeq, %select_n3A_71, %eq3A_75 : vector<32x912xf32>
    %jit3A_77 = arith.constant 912 : i32
    %broadcast_in_dim3A_78 = vector.broadcast %jit3A_77 : i32 to vector<32x912xi32>
    %select_n3A_79 = arith.select %eq3A_76, %iota3A, %broadcast_in_dim3A_78 : vector<32x912xi1>, vector<32x912xi32>
    %reduce_min3A_80 = arith.constant dense<2147483647> : vector<32xi32>
    %reduce_min3A_81 = vector.multi_reduction <minsi>, %select_n3A_79, %reduce_min3A_80 [1] : vector<32x912xi32> to vector<32xi32>
    %broadcast_in_dim3A_82 = vector.shape_cast %reduce_min3A_81 : vector<32xi32> to vector<32x1xi32>
    %eq3A_83 = vector.broadcast %broadcast_in_dim3A_82 : vector<32x1xi32> to vector<32x912xi32>
    %eq3A_84 = arith.cmpi eq, %iota3A, %eq3A_83 : vector<32x912xi32>
    %jit3A_85 = arith.constant 0 : i32
    %broadcast_in_dim3A_86 = vector.broadcast %jit3A_85 : i32 to vector<32x912xi32>
    %select_n3A_87 = arith.select %eq3A_84, %concatenate3A_11, %broadcast_in_dim3A_86 : vector<32x912xi1>, vector<32x912xi32>
    %reduce_sum3A_88 = arith.constant dense<0> : vector<32xi32>
    %reduce_sum3A_89 = vector.multi_reduction <add>, %select_n3A_87, %reduce_sum3A_88 [1] : vector<32x912xi32> to vector<32xi32>
    %broadcast_in_dim3A_90 = vector.shape_cast %reduce_sum3A_89 : vector<32xi32> to vector<32x1xi32>
    %jit3A_91 = arith.constant 3.000000e+38 : f32
    %broadcast_in_dim3A_92 = vector.broadcast %jit3A_91 : f32 to vector<32x912xf32>
    %select_n3A_93 = arith.select %eq3A_84, %broadcast_in_dim3A_92, %select_n3A_71 : vector<32x912xi1>, vector<32x912xf32>
    %reduce_min3A_94 = arith.constant dense<0x7F800000> : vector<32xf32>
    %reduce_min3A_95 = vector.multi_reduction <minimumf>, %select_n3A_93, %reduce_min3A_94 [1] : vector<32x912xf32> to vector<32xf32>
    %broadcast_in_dim3A_96 = vector.shape_cast %reduce_min3A_95 : vector<32xf32> to vector<32x1xf32>
    %eq3A_97 = vector.broadcast %broadcast_in_dim3A_96 : vector<32x1xf32> to vector<32x912xf32>
    %eq3A_98 = arith.cmpf oeq, %select_n3A_93, %eq3A_97 : vector<32x912xf32>
    %jit3A_99 = arith.constant 912 : i32
    %broadcast_in_dim3A_100 = vector.broadcast %jit3A_99 : i32 to vector<32x912xi32>
    %select_n3A_101 = arith.select %eq3A_98, %iota3A, %broadcast_in_dim3A_100 : vector<32x912xi1>, vector<32x912xi32>
    %reduce_min3A_102 = arith.constant dense<2147483647> : vector<32xi32>
    %reduce_min3A_103 = vector.multi_reduction <minsi>, %select_n3A_101, %reduce_min3A_102 [1] : vector<32x912xi32> to vector<32xi32>
    %broadcast_in_dim3A_104 = vector.shape_cast %reduce_min3A_103 : vector<32xi32> to vector<32x1xi32>
    %eq3A_105 = vector.broadcast %broadcast_in_dim3A_104 : vector<32x1xi32> to vector<32x912xi32>
    %eq3A_106 = arith.cmpi eq, %iota3A, %eq3A_105 : vector<32x912xi32>
    %jit3A_107 = arith.constant 0 : i32
    %broadcast_in_dim3A_108 = vector.broadcast %jit3A_107 : i32 to vector<32x912xi32>
    %select_n3A_109 = arith.select %eq3A_106, %concatenate3A_11, %broadcast_in_dim3A_108 : vector<32x912xi1>, vector<32x912xi32>
    %reduce_sum3A_110 = arith.constant dense<0> : vector<32xi32>
    %reduce_sum3A_111 = vector.multi_reduction <add>, %select_n3A_109, %reduce_sum3A_110 [1] : vector<32x912xi32> to vector<32xi32>
    %broadcast_in_dim3A_112 = vector.shape_cast %reduce_sum3A_111 : vector<32xi32> to vector<32x1xi32>
    %jit3A_113 = arith.constant 3.000000e+38 : f32
    %broadcast_in_dim3A_114 = vector.broadcast %jit3A_113 : f32 to vector<32x912xf32>
    %select_n3A_115 = arith.select %eq3A_106, %broadcast_in_dim3A_114, %select_n3A_93 : vector<32x912xi1>, vector<32x912xf32>
    %reduce_min3A_116 = arith.constant dense<0x7F800000> : vector<32xf32>
    %reduce_min3A_117 = vector.multi_reduction <minimumf>, %select_n3A_115, %reduce_min3A_116 [1] : vector<32x912xf32> to vector<32xf32>
    %broadcast_in_dim3A_118 = vector.shape_cast %reduce_min3A_117 : vector<32xf32> to vector<32x1xf32>
    %eq3A_119 = vector.broadcast %broadcast_in_dim3A_118 : vector<32x1xf32> to vector<32x912xf32>
    %eq3A_120 = arith.cmpf oeq, %select_n3A_115, %eq3A_119 : vector<32x912xf32>
    %jit3A_121 = arith.constant 912 : i32
    %broadcast_in_dim3A_122 = vector.broadcast %jit3A_121 : i32 to vector<32x912xi32>
    %select_n3A_123 = arith.select %eq3A_120, %iota3A, %broadcast_in_dim3A_122 : vector<32x912xi1>, vector<32x912xi32>
    %reduce_min3A_124 = arith.constant dense<2147483647> : vector<32xi32>
    %reduce_min3A_125 = vector.multi_reduction <minsi>, %select_n3A_123, %reduce_min3A_124 [1] : vector<32x912xi32> to vector<32xi32>
    %broadcast_in_dim3A_126 = vector.shape_cast %reduce_min3A_125 : vector<32xi32> to vector<32x1xi32>
    %eq3A_127 = vector.broadcast %broadcast_in_dim3A_126 : vector<32x1xi32> to vector<32x912xi32>
    %eq3A_128 = arith.cmpi eq, %iota3A, %eq3A_127 : vector<32x912xi32>
    %jit3A_129 = arith.constant 0 : i32
    %broadcast_in_dim3A_130 = vector.broadcast %jit3A_129 : i32 to vector<32x912xi32>
    %select_n3A_131 = arith.select %eq3A_128, %concatenate3A_11, %broadcast_in_dim3A_130 : vector<32x912xi1>, vector<32x912xi32>
    %reduce_sum3A_132 = arith.constant dense<0> : vector<32xi32>
    %reduce_sum3A_133 = vector.multi_reduction <add>, %select_n3A_131, %reduce_sum3A_132 [1] : vector<32x912xi32> to vector<32xi32>
    %broadcast_in_dim3A_134 = vector.shape_cast %reduce_sum3A_133 : vector<32xi32> to vector<32x1xi32>
    %jit3A_135 = arith.constant 3.000000e+38 : f32
    %broadcast_in_dim3A_136 = vector.broadcast %jit3A_135 : f32 to vector<32x912xf32>
    %select_n3A_137 = arith.select %eq3A_128, %broadcast_in_dim3A_136, %select_n3A_115 : vector<32x912xi1>, vector<32x912xf32>
    %reduce_min3A_138 = arith.constant dense<0x7F800000> : vector<32xf32>
    %reduce_min3A_139 = vector.multi_reduction <minimumf>, %select_n3A_137, %reduce_min3A_138 [1] : vector<32x912xf32> to vector<32xf32>
    %broadcast_in_dim3A_140 = vector.shape_cast %reduce_min3A_139 : vector<32xf32> to vector<32x1xf32>
    %eq3A_141 = vector.broadcast %broadcast_in_dim3A_140 : vector<32x1xf32> to vector<32x912xf32>
    %eq3A_142 = arith.cmpf oeq, %select_n3A_137, %eq3A_141 : vector<32x912xf32>
    %jit3A_143 = arith.constant 912 : i32
    %broadcast_in_dim3A_144 = vector.broadcast %jit3A_143 : i32 to vector<32x912xi32>
    %select_n3A_145 = arith.select %eq3A_142, %iota3A, %broadcast_in_dim3A_144 : vector<32x912xi1>, vector<32x912xi32>
    %reduce_min3A_146 = arith.constant dense<2147483647> : vector<32xi32>
    %reduce_min3A_147 = vector.multi_reduction <minsi>, %select_n3A_145, %reduce_min3A_146 [1] : vector<32x912xi32> to vector<32xi32>
    %broadcast_in_dim3A_148 = vector.shape_cast %reduce_min3A_147 : vector<32xi32> to vector<32x1xi32>
    %eq3A_149 = vector.broadcast %broadcast_in_dim3A_148 : vector<32x1xi32> to vector<32x912xi32>
    %eq3A_150 = arith.cmpi eq, %iota3A, %eq3A_149 : vector<32x912xi32>
    %jit3A_151 = arith.constant 0 : i32
    %broadcast_in_dim3A_152 = vector.broadcast %jit3A_151 : i32 to vector<32x912xi32>
    %select_n3A_153 = arith.select %eq3A_150, %concatenate3A_11, %broadcast_in_dim3A_152 : vector<32x912xi1>, vector<32x912xi32>
    %reduce_sum3A_154 = arith.constant dense<0> : vector<32xi32>
    %reduce_sum3A_155 = vector.multi_reduction <add>, %select_n3A_153, %reduce_sum3A_154 [1] : vector<32x912xi32> to vector<32xi32>
    %broadcast_in_dim3A_156 = vector.shape_cast %reduce_sum3A_155 : vector<32xi32> to vector<32x1xi32>
    %jit3A_157 = arith.constant 3.000000e+38 : f32
    %broadcast_in_dim3A_158 = vector.broadcast %jit3A_157 : f32 to vector<32x912xf32>
    %select_n3A_159 = arith.select %eq3A_150, %broadcast_in_dim3A_158, %select_n3A_137 : vector<32x912xi1>, vector<32x912xf32>
    %reduce_min3A_160 = arith.constant dense<0x7F800000> : vector<32xf32>
    %reduce_min3A_161 = vector.multi_reduction <minimumf>, %select_n3A_159, %reduce_min3A_160 [1] : vector<32x912xf32> to vector<32xf32>
    %broadcast_in_dim3A_162 = vector.shape_cast %reduce_min3A_161 : vector<32xf32> to vector<32x1xf32>
    %eq3A_163 = vector.broadcast %broadcast_in_dim3A_162 : vector<32x1xf32> to vector<32x912xf32>
    %eq3A_164 = arith.cmpf oeq, %select_n3A_159, %eq3A_163 : vector<32x912xf32>
    %jit3A_165 = arith.constant 912 : i32
    %broadcast_in_dim3A_166 = vector.broadcast %jit3A_165 : i32 to vector<32x912xi32>
    %select_n3A_167 = arith.select %eq3A_164, %iota3A, %broadcast_in_dim3A_166 : vector<32x912xi1>, vector<32x912xi32>
    %reduce_min3A_168 = arith.constant dense<2147483647> : vector<32xi32>
    %reduce_min3A_169 = vector.multi_reduction <minsi>, %select_n3A_167, %reduce_min3A_168 [1] : vector<32x912xi32> to vector<32xi32>
    %broadcast_in_dim3A_170 = vector.shape_cast %reduce_min3A_169 : vector<32xi32> to vector<32x1xi32>
    %eq3A_171 = vector.broadcast %broadcast_in_dim3A_170 : vector<32x1xi32> to vector<32x912xi32>
    %eq3A_172 = arith.cmpi eq, %iota3A, %eq3A_171 : vector<32x912xi32>
    %jit3A_173 = arith.constant 0 : i32
    %broadcast_in_dim3A_174 = vector.broadcast %jit3A_173 : i32 to vector<32x912xi32>
    %select_n3A_175 = arith.select %eq3A_172, %concatenate3A_11, %broadcast_in_dim3A_174 : vector<32x912xi1>, vector<32x912xi32>
    %reduce_sum3A_176 = arith.constant dense<0> : vector<32xi32>
    %reduce_sum3A_177 = vector.multi_reduction <add>, %select_n3A_175, %reduce_sum3A_176 [1] : vector<32x912xi32> to vector<32xi32>
    %broadcast_in_dim3A_178 = vector.shape_cast %reduce_sum3A_177 : vector<32xi32> to vector<32x1xi32>
    %concatenate3A_179 = tpu.concatenate %broadcast_in_dim3A, %broadcast_in_dim3A_30, %broadcast_in_dim3A_52, %broadcast_in_dim3A_74, %broadcast_in_dim3A_96, %broadcast_in_dim3A_118, %broadcast_in_dim3A_140, %broadcast_in_dim3A_162 in 1 : vector<32x1xf32>, vector<32x1xf32>, vector<32x1xf32>, vector<32x1xf32>, vector<32x1xf32>, vector<32x1xf32>, vector<32x1xf32>, vector<32x1xf32> -> vector<32x8xf32>
    %mul3A = arith.constant -2.000000e+01 : f32
    %mul3A_180 = vector.broadcast %mul3A : f32 to vector<32x8xf32>
    %mul3A_181 = arith.mulf %mul3A_180, %concatenate3A_179 : vector<32x8xf32>
    %reduce_max3A = arith.constant dense<0xFF800000> : vector<32xf32>
    %reduce_max3A_182 = vector.multi_reduction <maximumf>, %mul3A_181, %reduce_max3A [1] : vector<32x8xf32> to vector<32xf32>
    %broadcast_in_dim3A_183 = vector.shape_cast %reduce_max3A_182 : vector<32xf32> to vector<32x1xf32>
    %sub3A = vector.broadcast %broadcast_in_dim3A_183 : vector<32x1xf32> to vector<32x8xf32>
    %sub3A_184 = arith.subf %mul3A_181, %sub3A : vector<32x8xf32>
    %exp3A = math.exp %sub3A_184 : vector<32x8xf32>
    %reduce_sum3A_185 = arith.constant dense<0.000000e+00> : vector<32xf32>
    %reduce_sum3A_186 = vector.multi_reduction <add>, %exp3A, %reduce_sum3A_185 [1] : vector<32x8xf32> to vector<32xf32>
    %broadcast_in_dim3A_187 = vector.shape_cast %reduce_sum3A_186 : vector<32xf32> to vector<32x1xf32>
    %div3A = vector.broadcast %broadcast_in_dim3A_187 : vector<32x1xf32> to vector<32x8xf32>
    %div3A_188 = arith.divf %exp3A, %div3A : vector<32x8xf32>
    %iota3A_189 = tpu.iota {dimensions = array<i32: 1>} : vector<32x16xi32>
    %broadcast_in_dim3A_190 = arith.constant 0.000000e+00 : f32
    %broadcast_in_dim3A_191 = vector.broadcast %broadcast_in_dim3A_190 : f32 to vector<32x16xf32>
    %slice3A_192 = vector.extract_strided_slice %div3A_188 {offsets = [0, 0], sizes = [32, 1], strides = [1, 1]} : vector<32x8xf32> to vector<32x1xf32>
    %eq3A_193 = vector.broadcast %broadcast_in_dim3A_24 : vector<32x1xi32> to vector<32x16xi32>
    %eq3A_194 = arith.cmpi eq, %iota3A_189, %eq3A_193 : vector<32x16xi32>
    %convert_element_type3A = arith.extui %eq3A_194 : vector<32x16xi1> to vector<32x16xi32>
    %convert_element_type3A_195 = arith.sitofp %convert_element_type3A : vector<32x16xi32> to vector<32x16xf32>
    %mul3A_196 = vector.broadcast %slice3A_192 : vector<32x1xf32> to vector<32x16xf32>
    %mul3A_197 = arith.mulf %mul3A_196, %convert_element_type3A_195 : vector<32x16xf32>
    %add3A = arith.addf %broadcast_in_dim3A_191, %mul3A_197 : vector<32x16xf32>
    %slice3A_198 = vector.extract_strided_slice %div3A_188 {offsets = [0, 1], sizes = [32, 1], strides = [1, 1]} : vector<32x8xf32> to vector<32x1xf32>
    %eq3A_199 = vector.broadcast %broadcast_in_dim3A_46 : vector<32x1xi32> to vector<32x16xi32>
    %eq3A_200 = arith.cmpi eq, %iota3A_189, %eq3A_199 : vector<32x16xi32>
    %convert_element_type3A_201 = arith.extui %eq3A_200 : vector<32x16xi1> to vector<32x16xi32>
    %convert_element_type3A_202 = arith.sitofp %convert_element_type3A_201 : vector<32x16xi32> to vector<32x16xf32>
    %mul3A_203 = vector.broadcast %slice3A_198 : vector<32x1xf32> to vector<32x16xf32>
    %mul3A_204 = arith.mulf %mul3A_203, %convert_element_type3A_202 : vector<32x16xf32>
    %add3A_205 = arith.addf %add3A, %mul3A_204 : vector<32x16xf32>
    %slice3A_206 = vector.extract_strided_slice %div3A_188 {offsets = [0, 2], sizes = [32, 1], strides = [1, 1]} : vector<32x8xf32> to vector<32x1xf32>
    %eq3A_207 = vector.broadcast %broadcast_in_dim3A_68 : vector<32x1xi32> to vector<32x16xi32>
    %eq3A_208 = arith.cmpi eq, %iota3A_189, %eq3A_207 : vector<32x16xi32>
    %convert_element_type3A_209 = arith.extui %eq3A_208 : vector<32x16xi1> to vector<32x16xi32>
    %convert_element_type3A_210 = arith.sitofp %convert_element_type3A_209 : vector<32x16xi32> to vector<32x16xf32>
    %mul3A_211 = vector.broadcast %slice3A_206 : vector<32x1xf32> to vector<32x16xf32>
    %mul3A_212 = arith.mulf %mul3A_211, %convert_element_type3A_210 : vector<32x16xf32>
    %add3A_213 = arith.addf %add3A_205, %mul3A_212 : vector<32x16xf32>
    %slice3A_214 = vector.extract_strided_slice %div3A_188 {offsets = [0, 3], sizes = [32, 1], strides = [1, 1]} : vector<32x8xf32> to vector<32x1xf32>
    %eq3A_215 = vector.broadcast %broadcast_in_dim3A_90 : vector<32x1xi32> to vector<32x16xi32>
    %eq3A_216 = arith.cmpi eq, %iota3A_189, %eq3A_215 : vector<32x16xi32>
    %convert_element_type3A_217 = arith.extui %eq3A_216 : vector<32x16xi1> to vector<32x16xi32>
    %convert_element_type3A_218 = arith.sitofp %convert_element_type3A_217 : vector<32x16xi32> to vector<32x16xf32>
    %mul3A_219 = vector.broadcast %slice3A_214 : vector<32x1xf32> to vector<32x16xf32>
    %mul3A_220 = arith.mulf %mul3A_219, %convert_element_type3A_218 : vector<32x16xf32>
    %add3A_221 = arith.addf %add3A_213, %mul3A_220 : vector<32x16xf32>
    %slice3A_222 = vector.extract_strided_slice %div3A_188 {offsets = [0, 4], sizes = [32, 1], strides = [1, 1]} : vector<32x8xf32> to vector<32x1xf32>
    %eq3A_223 = vector.broadcast %broadcast_in_dim3A_112 : vector<32x1xi32> to vector<32x16xi32>
    %eq3A_224 = arith.cmpi eq, %iota3A_189, %eq3A_223 : vector<32x16xi32>
    %convert_element_type3A_225 = arith.extui %eq3A_224 : vector<32x16xi1> to vector<32x16xi32>
    %convert_element_type3A_226 = arith.sitofp %convert_element_type3A_225 : vector<32x16xi32> to vector<32x16xf32>
    %mul3A_227 = vector.broadcast %slice3A_222 : vector<32x1xf32> to vector<32x16xf32>
    %mul3A_228 = arith.mulf %mul3A_227, %convert_element_type3A_226 : vector<32x16xf32>
    %add3A_229 = arith.addf %add3A_221, %mul3A_228 : vector<32x16xf32>
    %slice3A_230 = vector.extract_strided_slice %div3A_188 {offsets = [0, 5], sizes = [32, 1], strides = [1, 1]} : vector<32x8xf32> to vector<32x1xf32>
    %eq3A_231 = vector.broadcast %broadcast_in_dim3A_134 : vector<32x1xi32> to vector<32x16xi32>
    %eq3A_232 = arith.cmpi eq, %iota3A_189, %eq3A_231 : vector<32x16xi32>
    %convert_element_type3A_233 = arith.extui %eq3A_232 : vector<32x16xi1> to vector<32x16xi32>
    %convert_element_type3A_234 = arith.sitofp %convert_element_type3A_233 : vector<32x16xi32> to vector<32x16xf32>
    %mul3A_235 = vector.broadcast %slice3A_230 : vector<32x1xf32> to vector<32x16xf32>
    %mul3A_236 = arith.mulf %mul3A_235, %convert_element_type3A_234 : vector<32x16xf32>
    %add3A_237 = arith.addf %add3A_229, %mul3A_236 : vector<32x16xf32>
    %slice3A_238 = vector.extract_strided_slice %div3A_188 {offsets = [0, 6], sizes = [32, 1], strides = [1, 1]} : vector<32x8xf32> to vector<32x1xf32>
    %eq3A_239 = vector.broadcast %broadcast_in_dim3A_156 : vector<32x1xi32> to vector<32x16xi32>
    %eq3A_240 = arith.cmpi eq, %iota3A_189, %eq3A_239 : vector<32x16xi32>
    %convert_element_type3A_241 = arith.extui %eq3A_240 : vector<32x16xi1> to vector<32x16xi32>
    %convert_element_type3A_242 = arith.sitofp %convert_element_type3A_241 : vector<32x16xi32> to vector<32x16xf32>
    %mul3A_243 = vector.broadcast %slice3A_238 : vector<32x1xf32> to vector<32x16xf32>
    %mul3A_244 = arith.mulf %mul3A_243, %convert_element_type3A_242 : vector<32x16xf32>
    %add3A_245 = arith.addf %add3A_237, %mul3A_244 : vector<32x16xf32>
    %slice3A_246 = vector.extract_strided_slice %div3A_188 {offsets = [0, 7], sizes = [32, 1], strides = [1, 1]} : vector<32x8xf32> to vector<32x1xf32>
    %eq3A_247 = vector.broadcast %broadcast_in_dim3A_178 : vector<32x1xi32> to vector<32x16xi32>
    %eq3A_248 = arith.cmpi eq, %iota3A_189, %eq3A_247 : vector<32x16xi32>
    %convert_element_type3A_249 = arith.extui %eq3A_248 : vector<32x16xi1> to vector<32x16xi32>
    %convert_element_type3A_250 = arith.sitofp %convert_element_type3A_249 : vector<32x16xi32> to vector<32x16xf32>
    %mul3A_251 = vector.broadcast %slice3A_246 : vector<32x1xf32> to vector<32x16xf32>
    %mul3A_252 = arith.mulf %mul3A_251, %convert_element_type3A_250 : vector<32x16xf32>
    %add3A_253 = arith.addf %add3A_245, %mul3A_252 : vector<32x16xf32>
    %swap3A = arith.constant 0 : index
    %swap3A_254 = arith.constant 0 : index
    %swap3A_255 = vector.load %arg4[%swap3A, %swap3A_254] : memref<32x16xf32, #tpu.memory_space<vmem>>, vector<32x16xf32>
    tpu.vector_store %arg4[%swap3A, %swap3A_254], %add3A_253 {strides = array<i32>} : memref<32x16xf32, #tpu.memory_space<vmem>>, vector<32x16xf32>,
    return
  }
}

</mosaic_0001>

<sc_bundles>
// kernel: kernel.5.cloned.1.call-start
scs
__scs_entry_jumppad:
0x0: {  	(pc) =	sbr.rel $0x88, $3  }
0x1: {  	(tag) =	ssettag $0x0;
	lr =	simm.s32 $0x1  }
0x2: {  	[smem:$0x3F9E] =	sst lr;
	_ =	strace $0xD0000000  }
0x3: {  	_ = 	snop  }
0x4: {  	_ = 	snop  }
0x5: {  	_ = 	snop  }
0x6: {  	_ = 	snop  }
0x7: {  	_ = 	snop  }
__scs_overlays_trampoline_lowered:
0x8: {  	[smem:$0x3FAD] =	sst s0  }
0x9: {  	[smem:$0x3FAE] =	sst s1  }
0xa: {  	[smem:$0x3FAF] =	sst s2  }
0xb: {  	[smem:$0x3FB0] =	sst s3  }
0xc: {  	[smem:$0x3FB1] =	sst s4  }
0xd: {  	[smem:$0x3FB2] =	sst s5  }
0xe: {  	[smem:$0x3FB3] =	sst s6  }
0xf: {  	[smem:$0x3FB4] =	sst s7  }
0x10: {  	[smem:$0x3FB5] =	sst s8  }
0x11: {  	[smem:$0x3FB6] =	sst s9;
	s0 =	simm.s32 @!p0 $0x0  }
0x12: {  	s1 =	sld [smem:$0x3F9C];
	s0 =	simm.s32 @p0 $0x1  }
0x13: {  	[smem:$0x3FB7] =	sst s0;
	s0 =	simm.s32 @!p1 $0x0  }
0x14: {  	s2 =	sld [smem:$0x3F9B];
	s0 =	simm.s32 @p1 $0x1  }
0x15: {  	[smem:$0x3FB8] =	sst s0;
	s0 =	simm.s32 @!p2 $0x0  }
0x16: {  	s3 =	sld [smem:$0x3FDB];
	s0 =	simm.s32 @p2 $0x1  }
0x17: {  	s4 =	simm.s32 $0x1BF5;
	[smem:$0x3FBA] =	sst s0  }
0x18: {  	s0 =	sld [smem:$0x3F9D];
	_ =	swait.ge [sflag:s4], $0x0  }
0x19: {  	s7 =	sld [smem:$0x3F9E]  }
0x1a: {  	s8 =	sadd.s32 $0xFFFFE003, lr  }
0x1b: {  	s9 =	sadd.s32 $0xFFFFFEF7, lr;
	s5 =	simm.s32 $0xFFFFFFFF;
	p2 =	slt.u32 s8, $0xFFFFF086  }
0x1c: {  	p1 =	slt.u32 s9, $0xF7A;
	s5 =	simm.s32 @!p2 $0x0  }
0x1d: {  	s5 =	simm.s32 @p1 $0x1;
	p0 =	seq.s32 s7, s2  }
0x1e: {  	s7 =	smul.u32 @!p0 $0xF7A, s2;
	p2 =	seq.s32 @!p0 s5, $0x0  }
0x1f: {  	s9 =	smul.u32 $0xF7A, s1;
	s8 =	simm.s32 @!p0 $0x1BF5;
	p2 =	por !p2, p0  }
0x20: {  	[sflag:s8] =	ssyncset.s32 @!p0 $0xFFFFF086;
	s6 =	sadd.s32 @!p0 s3, s7;
	s7 =	simm.s32 @!p0 $0x108  }
0x21: {  	s3 =	sadd.s32 s3, s9;
	s6 =	sadd.s32 @!p0 $0x88, s6;
	s7 =	simm.s32 @p2 $0x1082  }
0x22: {  	[simem:s7], [sflag:s8] =	dma.local @!p0 [hbm:s6], $0xF7A  }
0x23: {  	s9 =	sor.u32 $0xD0000000, s2;
	s6 =	simm.s32 $0x108;
	_ =	swait.ge @!p0 [sflag:s8], $0x0  }
0x24: {  	s3 =	sadd.s32 $0x88, s3;
	s6 =	simm.s32 @!p1 $0x1082;
	[sflag:s4] =	ssyncset.s32 $0xFFFFF086  }
0x25: {  	[simem:s6], [sflag:s4] =	dma.local [hbm:s3], $0xF7A  }
0x26: {  	[smem:$0x3F9E] =	sst s1;
	(tag) =	ssettag s2;
	_ =	strace s9  }
0x27: {  	s1 =	sld [smem:$0x3FAE]  }
0x28: {  	s2 =	sld [smem:$0x3FAF]  }
0x29: {  	s4 =	sld [smem:$0x3FB1]  }
0x2a: {  	p0 =	seq.s32 s5, $0x0;
	s5 =	sld [smem:$0x3FB2]  }
0x2b: {  	s6 =	sld [smem:$0x3FB3]  }
0x2c: {  	s7 =	sld [smem:$0x3FB4]  }
0x2d: {  	s3 =	simm.s32 $0x108;
	s8 =	sld [smem:$0x3FB5]  }
0x2e: {  	s3 =	simm.s32 @!p0 $0x1082;
	s9 =	sld [smem:$0x3FB6]  }
0x2f: {  	lr =	sadd.s32 s0, s3;
	s0 =	sld [smem:$0x3FAD]  }
0x30: {  	s3 =	sld [smem:$0x3FB0]  }
0x31: {  	[smem:$0x3FB9] =	sst s10  }
0x32: {  	s10 =	sld [smem:$0x3FB7];
	_ =	sdelay $0x3  }
0x33: {  	p0 =	seq.s32 s10, $0x1;
	s10 =	sld [smem:$0x3FB9];
	_ =	sdelay $0x3  }
0x34: {  	[smem:$0x3FB9] =	sst s10  }
0x35: {  	s10 =	sld [smem:$0x3FB8];
	_ =	sdelay $0x3  }
0x36: {  	p1 =	seq.s32 s10, $0x1;
	s10 =	sld [smem:$0x3FB9];
	_ =	sdelay $0x3  }
0x37: {  	[smem:$0x3FB9] =	sst s10  }
0x38: {  	s10 =	sld [smem:$0x3FBA]  }
0x39: {  	_ = 	snop;
	(pc) =	sbr.ind lr, $3  }
0x3a: {  	_ = 	snop  }
0x3b: {  	_ = 	snop  }
0x3c: {  	p2 =	seq.s32 s10, $0x1;
	s10 =	sld [smem:$0x3FB9]  }
0x3d: {  	_ =	shalt  }
0x3e: {  	_ =	shalt  }
0x3f: {  	_ =	shalt  }
0x40: {  	_ =	shalt  }
0x41: {  	_ =	shalt  }
0x42: {  	_ =	shalt  }
0x43: {  	_ =	shalt  }
0x44: {  	_ =	shalt  }
0x45: {  	_ =	shalt  }
0x46: {  	_ =	shalt  }
0x47: {  	_ =	shalt  }
0x48: {  	_ =	shalt  }
0x49: {  	_ =	shalt  }
0x4a: {  	_ =	shalt  }
0x4b: {  	_ =	shalt  }
0x4c: {  	_ =	shalt  }
0x4d: {  	_ =	shalt  }
0x4e: {  	_ =	shalt  }
0x4f: {  	_ =	shalt  }
0x50: {  	_ =	shalt  }
0x51: {  	_ =	shalt  }
0x52: {  	_ =	shalt  }
0x53: {  	_ =	shalt  }
0x54: {  	_ =	shalt  }
0x55: {  	_ =	shalt  }
0x56: {  	_ =	shalt  }
0x57: {  	_ =	shalt  }
0x58: {  	_ =	shalt  }
0x59: {  	_ =	shalt  }
0x5a: {  	_ =	shalt  }
0x5b: {  	_ =	shalt  }
0x5c: {  	_ =	shalt  }
0x5d: {  	_ =	shalt  }
0x5e: {  	_ =	shalt  }
0x5f: {  	_ =	shalt  }
0x60: {  	_ =	shalt  }
0x61: {  	_ =	shalt  }
0x62: {  	_ =	shalt  }
0x63: {  	_ =	shalt  }
0x64: {  	_ =	shalt  }
0x65: {  	_ =	shalt  }
0x66: {  	_ =	shalt  }
0x67: {  	_ =	shalt  }
0x68: {  	_ =	shalt  }
0x69: {  	_ =	shalt  }
0x6a: {  	_ =	shalt  }
0x6b: {  	_ =	shalt  }
0x6c: {  	_ =	shalt  }
0x6d: {  	_ =	shalt  }
0x6e: {  	_ =	shalt  }
0x6f: {  	_ =	shalt  }
0x70: {  	_ =	shalt  }
0x71: {  	_ =	shalt  }
0x72: {  	_ =	shalt  }
0x73: {  	_ =	shalt  }
0x74: {  	_ =	shalt  }
0x75: {  	_ =	shalt  }
0x76: {  	_ =	shalt  }
0x77: {  	_ =	shalt  }
0x78: {  	_ =	shalt  }
0x79: {  	_ =	shalt  }
0x7a: {  	_ =	shalt  }
0x7b: {  	_ =	shalt  }
0x7c: {  	_ =	shalt  }
0x7d: {  	_ =	shalt  }
0x7e: {  	_ =	shalt  }
0x7f: {  	_ =	shalt  }
0x80: {  	_ =	shalt  }
0x81: {  	_ =	shalt  }
0x82: {  	_ =	shalt  }
0x83: {  	_ =	shalt  }
0x84: {  	_ =	shalt  }
0x85: {  	_ =	shalt  }
0x86: {  	_ =	shalt  }
0x87: {  	_ =	shalt  }
.Lfunc_end0:
.L_simem_size_0:
called_computation_lowered:
.L_overlay_start_0:
0x88: {  	s2 =	sld [smem:$0x3FD9]  }
0x89: {  	s3 =	sld [smem:$0x3FFE];
	_ =	sdelay $0x1  }
0x8a: {  	s1 =	srdreg.scid  }
0x8b: {  	s0 =	sand.u32 $0x1, s1  }
0x8c: {  	s17 =	sshll.u32 s0, $0xA;
	s2 =	sadd.s32 s3, s2  }
0x8d: {  	s2 =	sadd.s32 s2, s17  }
0x8e: {  	[smem:$0x3FC5] =	sst s2  }
0x8f: {  	_ = 	snop  }
0x90: {  	s2 =	sld [smem:$0x3FC9]  }
0x91: {  	s18 =	sld [smem:$0x3FC8]  }
0x92: {  	s4 =	sld [smem:$0x3FC7];
	(tm) =	ssettm $0x1  }
0x93: {  	s5 =	sld [smem:$0x3FFB];
	_ =	sdelay $0x3  }
0x94: {  	_ =	strace s5  }
0x95: {  	s5 =	sld [smem:$0x3FFC];
	_ =	sdelay $0x3  }
0x96: {  	_ =	strace s5  }
0x97: {  	s5 =	sld [smem:$0x3FFD];
	_ =	sdelay $0x3  }
0x98: {  	_ =	strace s5  }
0x99: {  	_ =	strace $0x8FFFFFFF  }
0x9a: {  	s19 =	sld [smem:$0x3FDB];
	_ =	sdelay $0x1  }
0x9b: {  	s6 =	simm.s32 $_scs_section_size  }
0x9c: {  	s7 =	simm.s32 $_size__tile_overlayer_lowered;
	s8 =	simm.s32 $_tile_overlayer_lowered  }
0x9d: {  	s22 =	simm.s32 $0x1BFF;
	s21 =	sshll.u32 s8, $0x1;
	s5 =	sadd.s32 s6, s19  }
0x9e: {  	s9 =	simm.s32 $0x0;
	s20 =	sshll.u32 s7, $0x1;
	s7 =	sadd.s32 s21, s5  }
0x9f: {  	[timem:s9], [sflag:s22] =	dma.local [hbm:s7], s20  }
0xa0: {  	_ =	swait.ge [sflag:s22], s20  }
0xa1: {  	s6 =	ssub.s32 $0x0, s20;
	[sflag:s22] =	ssyncset.done $0x0  }
0xa2: {  	[sflag:s22] =	ssyncadd.s32 s6;
	_ =	sdelay $0x1  }
0xa3: {  	s23 =	simm.s32 $0x1B8B  }
0xa4: {  	_ =	swait.ge [sflag:s23], $0x1  }
0xa5: {  	[sflag:s23] =	ssyncset.done $0x0  }
0xa6: {  	s25 =	simm.s32 $0x1B8E;
	s24 =	sld [smem:$0x3FFE];
	[sflag:s23] =	ssyncadd.s32 $0xFFFFFFFF  }
0xa7: {  	s26 =	simm.s32 $execute0_lowered;
	[smem:$0x3FD2] =	sst s25  }
0xa8: {  	s7 =	sshll.u32 s26, $0x1;
	_ =	strace $0x80000046;
	[dreg:$0x1] =	wrdreg $0xFFFFFFFF  }
0xa9: {  	s28 =	simm.s32 $_size_execute0_lowered;
	s5 =	sadd.s32 s5, s7;
	[dreg:$0x0] =	wrdreg $0x0  }
0xaa: {  	s7 =	sshll.u32 s28, $0x1;
	[dreg:$0x2] =	wrdreg s5  }
0xab: {  	[dreg:$0x3] =	wrdreg s7  }
0xac: {  	[dreg:$0x4] =	wrdreg $0xC0  }
0xad: {  	_ =	task [dreg:s9], $0x5FFFF  }
0xae: {  	[dreg:$0x1] =	wrdreg $0xFFFFFFFF  }
0xaf: {  	[dreg:$0x0] =	wrdreg $0x60  }
0xb0: {  	[dreg:$0x2] =	wrdreg s2  }
0xb1: {  	[dreg:$0x3] =	wrdreg s18  }
0xb2: {  	[dreg:$0x4] =	wrdreg s4  }
0xb3: {  	[dreg:$0x5] =	wrdreg s24  }
0xb4: {  	[dreg:$0x6] =	wrdreg $0x9  }
0xb5: {  	_ =	task.clear_ibuf [dreg:s9], $0x7FFFF;
	_ =	strace $0x90000046  }
0xb6: {  	s29 =	simm.s32 $0x9;
	_ =	strace $0x80000048  }
0xb7: {  	_ =	swait.ge [sflag:s29], $0x1  }
0xb8: {  	[sflag:s29] =	ssyncadd.s32 $0xFFFFFFFF  }
0xb9: {  	_ =	strace $0x90000048  }
0xba: {  	_ =	sfence  }
0xbb: {  	s30 =	sld [smem:$0x0];
	_ =	sdelay $0x2  }
0xbc: {  	s31 =	sshll.u32 s1, $0xD;
	s1 =	sshrl.u32 s1, $0x2  }
0xbd: {  	s3 =	sand.u32 $0x4000, s31;
	s1 =	sadd.s32 s1, s30  }
0xbe: {  	s0 =	sor.u32 s3, s0;
	s1 =	sshll.u32 s1, $0x11  }
0xbf: {  	s0 =	sor.u32 s1, s0  }
0xc0: {  	s0 =	sadd.s32 $0x8F2B, s0  }
0xc1: {  	[sflag:s0] =	ssyncadd.remote.s32 $0x1  }
0xc2: {  	_ =	sfence.sel $0xFFFF  }
0xc3: {  	[dreg:$0x0] =	wrdreg $0xFFFFFFFF;
	(pc) =	sbr.abs _section_cstart, $3  }
0xc4: {  	[dreg:$0x1] =	wrdreg $0xFFFFFFFF  }
0xc5: {  	_ =	task.clear_ibuf [dreg:s9], $0x2FFFF;
	_ =	strace $0x9FFFFFFF  }
0xc6: {  	(tm) =	ssettm $0x7FFFFFFF  }
0xc7: {  	_ =	shalt  }
tec
execute0_lowered:
.L_overlay_start_1:
0x0: {  	(tag) =	ssettag $0x1  }
0x1: {  	s2 =	rddreg [dreg:$0x0]  }
0x2: {  	s10 =	rddreg [dreg:$0x1]  }
0x3: {  	s0 =	srdreg.scid;
	s4 =	rddreg [dreg:$0x2]  }
0x4: {  	s1 =	stileid.u32;
	s7 =	rddreg [dreg:$0x3];
	s0 =	sand.u32 $0x1, s0  }
0x5: {  	s3 =	sshll.u32 s1, $0x1;
	s5 =	sshrl.u32 s1, $0x2;
	s1 =	simm.s32 $0x0  }
0x6: {  	s3 =	sor.u32 s0, s3;
	s8 =	sshll.u32 s5, $0xA;
	[smem:$0x7FF] =	sst s1  }
0x7: {  	s0 =	ssub.s32 $0x2, s0;
	s22 =	sshll.u32 s5, $0xE;
	s5 =	sshll.u32 s5, $0xD  }
0x8: {  	s6 =	sshll.u32 s3, $0x7;
	_ =	strace $0x80000047;
	s9 =	sshrl.u32 s0, $0x1  }
0x9: {  	s25 =	sshll.u32 s3, $0x12;
	s26 =	sshll.u32 s3, $0x15;
	s6 =	sand.u32 $0x380, s6  }
0xa: {  	s0 =	ssub.s32 s0, s9;
	s28 =	sadd.s32 s25, s10;
	s29 =	sor.u32 $0x1D0000, s26  }
0xb: {  	s8 =	sor.u32 s8, s6;
	s3 =	sadd.s32 $0x39000, s28;
	[dreg:$0x9] =	wrdreg s29  }
0xc: {  	s5 =	sor.u32 s5, s6;
	s0 =	smax.u32 s0, $0x1;
	[dreg:$0x8] =	wrdreg s3  }
0xd: {  	s8 =	sshrl.u32 s8, $0x3;
	s5 =	sshrl.u32 s5, $0x3;
	[dreg:$0xd] =	wrdreg s0  }
0xe: {  	s7 =	sadd.s32 s8, s7;
	s24 =	sadd.s32 s5, s4;
	s4 =	sadd.s32 $0x38000, s28  }
0xf: {  	vm0 =	vmmov $0x1;
	vm1 =	vmmov $0x3;
	vm2 =	vmmov $0x7;
	s8 =	sor.u32 s22, s6;
	[dreg:$0x7] =	wrdreg s4;
	s30 =	sadd.s32 $0x1000, s7  }
0x10: {  	vm3 =	vmmov $0xf;
	vm4 =	vmmov $0x1f;
	vm5 =	vmmov $0x3f;
	s23 =	sshrl.u32 s8, $0x3;
	s31 =	sadd.s32 $0x1200, s7;
	[dreg:$0xb] =	wrdreg s30  }
0x11: {  	vm6 =	vmmov $0x7f;
	vm7 =	vmmov $0xff;
	v0 =	vlaneseq.u32;
	s19 =	simm.s32 $0x1;
	s2 =	sadd.s32 s2, s23;
	[dreg:$0xc] =	wrdreg s31  }
0x12: {  	vm8 =	vmmov $0x1ff;
	vm9 =	vmmov $0x3ff;
	s20 =	simm.s32 $0x2;
	v0 =	vmul.u32 $0xFFFFFFFF, v0;
	[dreg:$0x5] =	wrdreg s2;
	s2 =	sadd.s32 $0x380, s24  }
0x13: {  	vm10 =	vmmov $0x7ff;
	vm11 =	vmmov $0xfff;
	vm12 =	vmmov $0x1fff;
	s9 =	smov.u32 s10;
	[dreg:$0x6] =	wrdreg s2;
	s2 =	sor.u32 $0x1D8000, s26  }
0x14: {  	vm13 =	vmmov $0x3fff;
	vm14 =	vmmov $0x7fff;
	v0 =	vadd.s32 $0xF, v0;
	s4 =	simm.s32 $0x3;
	[dreg:$0xa] =	wrdreg s2;
	s2 =	simm.s32 $0x0  }
.LBB2_1:
0x15: {  	[dreg:$0xe] =	wrdreg s2  }
0x16: {  	s0 =	rddreg [dreg:$0x5];
	s24 =	simm.s32 $0x80;
	s3 =	simm.s32 $0x400  }
0x17: {  	[tilespmem:s1], [sflag:$0x3] =	stream.strided.gather [hbm4b:s0+s24], $0x800, s3, s24, $0x38;
	[tilespmem:$0x10980] =	vst v63  }
0x18: {  	_ =	swait.ge [sflag:s4], $0x800  }
0x19: {  	[sflag:s4] =	ssyncset.done $0x0  }
0x1a: {  	s26 =	simm.s32 $0x800;
	s25 =	rddreg [dreg:$0x6];
	[sflag:s4] =	ssyncadd.s32 $0xFFFFF800  }
0x1b: {  	[tilespmem:s26], [sflag:$0x3] =	stream.linear.gather [hbm4b:s25+s1], $0x80, $0x38;
	[tilespmem:$0x10980] =	vst v63  }
0x1c: {  	_ =	swait.ge [sflag:s4], $0x80  }
0x1d: {  	[sflag:s4] =	ssyncset.done $0x0  }
0x1e: {  	s29 =	simm.s32 $0x880;
	s28 =	rddreg [dreg:$0x7];
	[sflag:s4] =	ssyncadd.s32 $0xFFFFFF80  }
0x1f: {  	[tilespmem:s29], [sflag:$0x1] =	stream.linear.gather [hbm4b:s28+s1], $0x8000, $0x38;
	[tilespmem:$0x10980] =	vst v63  }
0x20: {  	s31 =	simm.s32 $0x8880;
	s24 =	simm.s32 $0x0;
	s30 =	rddreg [dreg:$0x8]  }
0x21: {  	v2 =	vimm.f32 $3.000000010e+38;
	v1 =	vimm.s32 $0x0;
	[tilespmem:s31], [sflag:$0x2] =	stream.linear.gather [hbm4b:s30+s1], $0x8000, $0x38;
	[tilespmem:$0x10980] =	vst v63  }
.LBB2_2:
0x22: {  	s4 =	simm.s32 $0x0  }
0x23: {  	_ =	swait.ge [sflag:s19], $0x8000;
	s0 =	sand.u32 $0x3, s4  }
0x24: {  	[sflag:s19] =	ssyncset.done $0x0;
	s0 =	sshll.u32 s0, $0x5  }
0x25: {  	s13 =	sand.u32 $0x3C00, s4;
	[sflag:s19] =	ssyncadd.s32 $0xFFFF8000;
	s5 =	sadd.s32 $0x0, s0  }
0x26: {  	s6 =	sadd.s32 $0x4C00, s13;
	s0 =	sand.u32 $0x60, s4;
	v3 =	vld [tilespmem:s4+$0x0];
	s3 =	sor.u32 $0x300, s5  }
0x27: {  	s21 =	sor.u32 s0, s6;
	v4 =	vld [tilespmem:s3+$0x880]  }
0x28: {  	s1 =	sadd.s32 $0x4880, s13;
	s10 =	sor.u32 $0x380, s5;
	v5 =	vld [tilespmem:s21+$0x0]  }
0x29: {  	s16 =	sadd.s32 $0x4900, s13;
	s12 =	sor.u32 s0, s1;
	v6 =	vld [tilespmem:s10+$0x880]  }
0x2a: {  	s7 =	sadd.s32 $0x880, s13;
	s2 =	sor.u32 $0x10, s0;
	s18 =	sor.u32 s0, s16;
	v29 =	vld [tilespmem:s12+$0x0]  }
0x2b: {  	s25 =	sor.u32 s2, s7;
	v33 =	vld [tilespmem:s18+$0x0]  }
0x2c: {  	s22 =	sadd.s32 $0x4B00, s13;
	s7 =	sor.u32 s0, s7;
	v7 =	vld [tilespmem:s25+$0x0]  }
0x2d: {  	s23 =	sor.u32 s2, s22;
	v8 =	vld [tilespmem:s7+$0x0]  }
0x2e: {  	v9 =	vld [tilespmem:s23+$0x0]  }
0x2f: {  	v12 =	vld [tilespmem:s7+$0x200]  }
0x30: {  	v14 =	vld [tilespmem:s7+$0x280]  }
0x31: {  	s14 =	sadd.s32 $0x4A80, s13;
	v15 =	vld [tilespmem:s7+$0x80]  }
0x32: {  	s11 =	sor.u32 s2, s14;
	v17 =	vld [tilespmem:s7+$0x180]  }
0x33: {  	v10 =	vld [tilespmem:s11+$0x0];
	v6 =	vsub.f32 v6, v3  }
0x34: {  	s4 =	sand.u32 $0x780, s4;
	s6 =	sor.u32 s2, s6;
	v19 =	vld [tilespmem:s7+$0x100];
	v16 =	vsub.f32 v5, v3;
	v18 =	vsub.f32 v4, v3  }
0x35: {  	s4 =	sor.u32 s2, s4;
	v11 =	vld [tilespmem:s6+$0x0];
	v34 =	vsub.f32 v29, v3;
	v41 =	vsub.f32 v33, v3  }
0x36: {  	v13 =	vimm.f32 $0.0e+00;
	v5 =	vld [tilespmem:s4+$0x0];
	v14 =	vsub.f32 v14, v3;
	v15 =	vsub.f32 v15, v3  }
0x37: {  	v20 =	vld [tilespmem:s25+$0x100];
	v23 =	vsub.f32 v12, v3;
	v12 =	vsub.f32 v17, v3;
	v6 =	vmul.f32 v6, v6  }
0x38: {  	v21 =	vld [tilespmem:s25+$0x180];
	s11 =	sor.u32 s2, s1;
	v8 =	vsub.f32 v8, v3;
	v16 =	vmul.f32 v16, v16;
	v18 =	vmul.f32 v18, v18  }
0x39: {  	s26 =	sadd.s32 $0x10, s5;
	v22 =	vld [tilespmem:s11+$0x0];
	v19 =	vsub.f32 v19, v3;
	v4 =	vadd.f32 v6, v13  }
0x3a: {  	s5 =	sor.u32 $0x300, s26;
	v24 =	vld [tilespmem:s25+$0x280];
	v25 =	vmul.f32 v14, v14;
	v6 =	vadd.f32 v16, v13;
	v26 =	vadd.f32 v18, v13  }
0x3b: {  	s31 =	sadd.s32 $0x4B80, s13;
	v17 =	vld [tilespmem:s5+$0x880];
	v15 =	vmul.f32 v15, v15;
	v7 =	vsub.f32 v7, v5;
	v9 =	vsub.f32 v9, v5  }
0x3c: {  	s8 =	sor.u32 s0, s31;
	v27 =	vmul.f32 v12, v12;
	v20 =	vsub.f32 v20, v5;
	v16 =	vsub.f32 v10, v5  }
0x3d: {  	v14 =	vld [tilespmem:s8+$0x0];
	v28 =	vmul.f32 v8, v8;
	v12 =	vadd.f32 v15, v13;
	v18 =	vsub.f32 v21, v5  }
0x3e: {  	s15 =	sadd.s32 $0x4A00, s13;
	s6 =	sor.u32 s2, s31;
	v15 =	vmul.f32 v19, v19;
	v11 =	vsub.f32 v11, v5;
	v31 =	vsub.f32 v22, v5  }
0x3f: {  	s17 =	sor.u32 s0, s15;
	v22 =	vadd.f32 v28, v13;
	v39 =	vsub.f32 v24, v5;
	v8 =	vmul.f32 v9, v9;
	v9 =	vld [tilespmem:s6+$0x0]  }
0x40: {  	s3 =	sor.u32 s0, s22;
	v19 =	vld [tilespmem:s17+$0x0];
	v10 =	vsub.f32 v17, v5;
	v21 =	vmul.f32 v7, v7;
	v7 =	vmul.f32 v23, v23  }
0x41: {  	v38 =	vld [tilespmem:s3+$0x0];
	v17 =	vadd.f32 v27, v13;
	v24 =	vmul.f32 v11, v11;
	v40 =	vmul.f32 v20, v20  }
0x42: {  	s22 =	sor.u32 s2, s16;
	v32 =	vld [tilespmem:s25+$0x200];
	v20 =	vimm.f32 $0.0e+00;
	v11 =	vimm.f32 $0.0e+00;
	v14 =	vsub.f32 v14, v3  }
0x43: {  	s21 =	sadd.s32 $0x4980, s13;
	s31 =	sor.u32 s2, s15;
	v36 =	vld [tilespmem:s22+$0x0];
	v35 =	vmul.f32 v10, v10;
	v10 =	vimm.f32 $0.0e+00;
	v23 =	vadd.f32 v7, v13  }
0x44: {  	s28 =	simm.s32 $0x100;
	s23 =	sor.u32 s0, s21;
	v37 =	vld [tilespmem:s31+$0x0];
	v7 =	vimm.f32 $0.0e+00;
	v28 =	vmul.f32 v14, v14;
	v9 =	vsub.f32 v9, v5  }
0x45: {  	s29 =	simm.s32 $0x1;
	s30 =	simm.s32 $0x20;
	s4 =	sor.u32 $0x380, s26;
	v33 =	vld [tilespmem:s23+$0x0];
	v30 =	vsub.f32 v19, v3;
	v19 =	vadd.f32 v15, v13;
	v15 =	vimm.f32 $0.0e+00  }
0x46: {  	s0 =	sor.u32 s0, s14;
	s2 =	sor.u32 s2, s21;
	s26 =	simm.s32 $0x20;
	v27 =	vld [tilespmem:s4+$0x880];
	v14 =	vimm.f32 $0.0e+00;
	v29 =	vmul.f32 v9, v9;
	v9 =	vimm.f32 $0.0e+00  }
.LBB2_3:
0x47: {  	s4 =	sand.u32 $0x3, s29;
	s17 =	sand.u32 $0x60, s26;
	s3 =	sand.u32 $0x3C00, s28;
	v42 =	vld [tilespmem:s0+$0x0];
	v38 =	vsub.f32 v38, v3;
	v39 =	vmul.f32 v39, v39;
	v26 =	vadd.f32 v35, v26  }
0x48: {  	v13 =	vadd.f32 v25, v13;
	v25 =	vmul.f32 v34, v34;
	s0 =	sshll.u32 s4, $0x5;
	s4 =	sadd.s32 $0x880, s3;
	s6 =	sadd.s32 $0x4B00, s3;
	v34 =	vld [tilespmem:s25+$0x80];
	v19 =	vadd.f32 v40, v19  }
0x49: {  	v31 =	vmul.f32 v31, v31;
	s10 =	sadd.s32 $0x4A00, s3;
	s22 =	sor.u32 $0x10, s17;
	v35 =	vmul.f32 v41, v41;
	s0 =	sadd.s32 s0, s28;
	v36 =	vsub.f32 v36, v5;
	v40 =	vld [tilespmem:s2+$0x0]  }
0x4a: {  	v7 =	vadd.f32 v28, v7;
	s5 =	sadd.s32 $0x4C00, s3;
	v38 =	vmul.f32 v38, v38;
	v41 =	vld [tilespmem:s30+$0x0];
	s2 =	sor.u32 $0x300, s0;
	s12 =	sadd.s32 $0x10, s0;
	v28 =	vsub.f32 v37, v5  }
0x4b: {  	v27 =	vsub.f32 v27, v5;
	v6 =	vadd.f32 v24, v6;
	s0 =	sor.u32 $0x380, s0;
	v37 =	vld [tilespmem:s2+$0x880];
	s2 =	sor.u32 s17, s5;
	s31 =	sor.u32 $0x300, s12;
	v36 =	vmul.f32 v36, v36  }
0x4c: {  	s15 =	sadd.s32 $0x4A80, s3;
	v32 =	vsub.f32 v32, v5;
	s25 =	sor.u32 s22, s4;
	v33 =	vsub.f32 v33, v3;
	v24 =	vld [tilespmem:s2+$0x0];
	s2 =	sand.u32 $0x780, s26;
	v28 =	vmul.f32 v28, v28  }
0x4d: {  	v30 =	vmul.f32 v30, v30;
	s23 =	sadd.s32 $0x4980, s3;
	s7 =	sor.u32 s17, s4;
	v7 =	vadd.f32 v29, v7;
	v42 =	vsub.f32 v42, v3;
	s11 =	sor.u32 s22, s2;
	v43 =	vld [tilespmem:s25+$0x0]  }
0x4e: {  	v16 =	vmul.f32 v16, v16;
	s13 =	sadd.s32 $0x4B80, s3;
	v20 =	vadd.f32 v25, v20;
	s16 =	sor.u32 $0x380, s12;
	s2 =	sadd.s32 $0x4880, s3;
	v29 =	vld [tilespmem:s7+$0x0]  }
0x4f: {  	v27 =	vmul.f32 v27, v27;
	v32 =	vmul.f32 v32, v32;
	s18 =	sor.u32 s17, s2;
	s2 =	sor.u32 s22, s2;
	v40 =	vsub.f32 v40, v5;
	v25 =	vld [tilespmem:s0+$0x880];
	s0 =	sor.u32 s22, s6;
	v3 =	vmovc v41  }
0x50: {  	v18 =	vmul.f32 v18, v18;
	s21 =	sor.u32 s22, s13;
	v13 =	vadd.f32 v39, v13;
	s12 =	sor.u32 s22, s15;
	v11 =	vadd.f32 v38, v11;
	v41 =	vld [tilespmem:s0+$0x0];
	s0 =	sor.u32 s22, s5  }
0x51: {  	v22 =	vadd.f32 v21, v22;
	s14 =	sadd.s32 $0x4900, s3;
	s4 =	sor.u32 s17, s10;
	s3 =	sor.u32 s17, s13;
	v5 =	vsub.f32 v34, v5;
	v21 =	vmul.f32 v40, v40;
	v38 =	vld [tilespmem:s12+$0x0]  }
0x52: {  	v15 =	vadd.f32 v35, v15;
	v23 =	vadd.f32 v32, v23;
	s13 =	sor.u32 s17, s23;
	v33 =	vmul.f32 v33, v33;
	s5 =	sor.u32 s17, s14;
	s14 =	sor.u32 s22, s14;
	v34 =	vld [tilespmem:s0+$0x0]  }
0x53: {  	v11 =	vadd.f32 v8, v11;
	s6 =	sor.u32 s17, s6;
	v32 =	vsub.f32 v37, v3;
	v37 =	vmul.f32 v5, v5;
	s0 =	sor.u32 s17, s15;
	s17 =	sor.u32 s22, s10;
	v35 =	vld [tilespmem:s2+$0x0]  }
0x54: {  	p0 =	sne.s32 s26, $0x7E0;
	s26 =	sadd.s32 $0x20, s26;
	v8 =	vadd.f32 v33, v14;
	v14 =	vmul.f32 v42, v42;
	v5 =	vsub.f32 v24, v3;
	s2 =	sor.u32 s22, s23;
	v24 =	vld [tilespmem:s25+$0x280]  }
0x55: {  	v15 =	vadd.f32 v36, v15;
	v32 =	vmul.f32 v32, v32;
	v25 =	vsub.f32 v25, v3;
	v33 =	vld [tilespmem:s7+$0x200]  }
0x56: {  	v17 =	vadd.f32 v18, v17;
	v39 =	vmul.f32 v5, v5;
	v5 =	vadd.f32 v30, v9;
	v36 =	vld [tilespmem:s7+$0x280]  }
0x57: {  	v4 =	vadd.f32 v27, v4;
	v10 =	vadd.f32 v14, v10;
	v25 =	vmul.f32 v25, v25;
	v18 =	vld [tilespmem:s7+$0x80]  }
0x58: {  	v14 =	vadd.f32 v21, v8;
	v9 =	vadd.f32 v28, v5;
	v27 =	vld [tilespmem:s7+$0x180]  }
0x59: {  	v20 =	vadd.f32 v31, v20;
	v8 =	vadd.f32 v37, v12;
	v5 =	vld [tilespmem:s11+$0x0]  }
0x5a: {  	v10 =	vadd.f32 v16, v10;
	v4 =	vadd.f32 v25, v4;
	v12 =	vld [tilespmem:s7+$0x100]  }
0x5b: {  	v6 =	vadd.f32 v39, v6;
	v16 =	vsub.f32 v36, v3;
	v21 =	vld [tilespmem:s25+$0x100]  }
0x5c: {  	v28 =	vsub.f32 v33, v3;
	v18 =	vsub.f32 v18, v3;
	v30 =	vld [tilespmem:s25+$0x180]  }
0x5d: {  	v26 =	vadd.f32 v32, v26;
	v27 =	vsub.f32 v27, v3;
	v25 =	vmul.f32 v16, v16;
	v31 =	vld [tilespmem:s31+$0x880]  }
0x5e: {  	v16 =	vsub.f32 v29, v3;
	v18 =	vmul.f32 v18, v18;
	v29 =	vld [tilespmem:s3+$0x0];
	v32 =	vsub.f32 v43, v5  }
0x5f: {  	v37 =	vsub.f32 v41, v5;
	v33 =	vsub.f32 v12, v3;
	v36 =	vmul.f32 v27, v27;
	v27 =	vld [tilespmem:s16+$0x880]  }
0x60: {  	v39 =	vmul.f32 v16, v16;
	v16 =	vsub.f32 v38, v5;
	v40 =	vld [tilespmem:s18+$0x0];
	v41 =	vsub.f32 v21, v5  }
0x61: {  	v12 =	vadd.f32 v18, v8;
	v8 =	vmul.f32 v37, v37;
	v18 =	vsub.f32 v30, v5;
	v30 =	vld [tilespmem:s21+$0x0]  }
0x62: {  	v43 =	vsub.f32 v34, v5;
	v33 =	vmul.f32 v33, v33;
	v37 =	vld [tilespmem:s4+$0x0];
	v42 =	vsub.f32 v31, v5  }
0x63: {  	v21 =	vmul.f32 v32, v32;
	v31 =	vsub.f32 v35, v5;
	v44 =	vld [tilespmem:s5+$0x0];
	v29 =	vsub.f32 v29, v3  }
.Ltmp0:
0x64: {  	v22 =	vadd.f32 v39, v22;
	v17 =	vadd.f32 v36, v17;
	v38 =	vld [tilespmem:s6+$0x0];
	v35 =	vmul.f32 v42, v42;
	(pc) =	sbr.rel @p0 .LBB2_3-.Ltmp0, $4  }
0x65: {  	v42 =	vmul.f32 v28, v28;
	v34 =	vsub.f32 v40, v3;
	v28 =	vmul.f32 v29, v29;
	v32 =	vld [tilespmem:s25+$0x200]  }
0x66: {  	v39 =	vsub.f32 v24, v5;
	v24 =	vmul.f32 v43, v43;
	v36 =	vld [tilespmem:s14+$0x0];
	v29 =	vsub.f32 v30, v5  }
0x67: {  	v40 =	vmul.f32 v41, v41;
	v23 =	vadd.f32 v42, v23;
	v30 =	vsub.f32 v37, v3;
	v37 =	vld [tilespmem:s17+$0x0]  }
0x68: {  	s29 =	sadd.s32 $0x1, s29;
	s28 =	sadd.s32 $0x100, s28;
	s30 =	sadd.s32 $0x20, s30;
	v19 =	vadd.f32 v33, v19;
	v41 =	vsub.f32 v44, v3;
	v33 =	vld [tilespmem:s13+$0x0];
	v29 =	vmul.f32 v29, v29  }
0x69: {  	v42 =	vld [tilespmem:s25+$0x80];
	_ =	sdelay $0x4  }
0x6a: {  	v42 =	vsub.f32 v42, v5  }
0x6b: {  	v38 =	vsub.f32 v38, v3  }
0x6c: {  	v26 =	vadd.f32 v35, v26;
	v13 =	vadd.f32 v25, v13;
	v60 =	vmul.f32 v42, v42  }
0x6d: {  	v39 =	vmul.f32 v39, v39;
	v21 =	vadd.f32 v21, v22;
	v32 =	vsub.f32 v32, v5  }
0x6e: {  	v25 =	vmul.f32 v34, v34;
	v18 =	vmul.f32 v18, v18;
	v12 =	vadd.f32 v60, v12  }
0x6f: {  	v31 =	vmul.f32 v31, v31;
	v22 =	vld [tilespmem:s0+$0x0];
	v19 =	vadd.f32 v40, v19;
	(xrf2) =	vadd.scan.msk.f32 $0xffff, v21;
	v32 =	vmul.f32 v32, v32  }
0x70: {  	v61 =	vld [tilespmem:s2+$0x0];
	v59 =	vmul.f32 v41, v41;
	v21 =	vsub.f32 v27, v5;
	v17 =	vadd.f32 v18, v17;
	(xrf2) =	vadd.scan.msk.f32 $0xffff, v12  }
0x71: {  	v36 =	vsub.f32 v36, v5;
	v62 =	vmul.f32 v38, v38;
	v23 =	vadd.f32 v32, v23;
	(xrf2) =	vadd.scan.msk.f32 $0xffff, v19  }
0x72: {  	v13 =	vadd.f32 v39, v13;
	v37 =	vsub.f32 v37, v5;
	v19 =	vmul.f32 v21, v21;
	(xrf2) =	vadd.scan.msk.f32 $0xffff, v17  }
0x73: {  	v18 =	vmul.f32 v30, v30;
	v15 =	vadd.f32 v59, v15;
	v12 =	vsub.f32 v33, v3;
	(xrf2) =	vadd.scan.msk.f32 $0xffff, v23  }
0x74: {  	v27 =	vmul.f32 v36, v36;
	v3 =	vsub.f32 v22, v3;
	v4 =	vadd.f32 v19, v4;
	(xrf2) =	vadd.scan.msk.f32 $0xffff, v13  }
0x75: {  	v5 =	vsub.f32 v61, v5;
	v17 =	vadd.f32 v25, v20;
	v12 =	vmul.f32 v12, v12;
	(xrf2) =	vadd.scan.msk.f32 $0xffff, v26  }
0x76: {  	v9 =	vadd.f32 v18, v9;
	v3 =	vmul.f32 v3, v3;
	(xrf2) =	vadd.scan.msk.f32 $0xffff, v4;
	v4 =	vmul.f32 v16, v16  }
0x77: {  	v5 =	vmul.f32 v5, v5;
	v12 =	vadd.f32 v12, v14;
	v13 =	vadd.f32 v31, v17  }
0x78: {  	v15 =	vadd.f32 v27, v15;
	v14 =	vmul.f32 v37, v37;
	v3 =	vadd.f32 v3, v10  }
0x79: {  	v10 =	vadd.f32 v62, v11;
	v5 =	vadd.f32 v5, v12;
	(xrf2) =	vadd.scan.msk.f32 $0xffff, v13  }
0x7a: {  	v9 =	vadd.f32 v14, v9;
	(xrf2) =	vadd.scan.msk.f32 $0xffff, v15;
	v3 =	vadd.f32 v4, v3;
	v4, _, _ =	vpop (xrf2)  }
0x7b: {  	v7 =	vadd.f32 v28, v7;
	(xrf2) =	vadd.scan.msk.f32 $0xffff, v5;
	v5 =	vadd.f32 v8, v10;
	v8, _, _ =	vpop (xrf2)  }
0x7c: {  	v8 =	vbroadcast v8, $0xF  }
0x7d: {  	v7 =	vadd.f32 v29, v7;
	(xrf2) =	vadd.scan.msk.f32 $0xffff, v9  }
0x7e: {  	v4 =	vbroadcast v4, $0xF;
	v9, _, _ =	vpop (xrf2);
	(xrf2) =	vadd.scan.msk.f32 $0xffff, v3  }
0x7f: {  	v3 =	vbroadcast v9, $0xF;
	v9, _, _ =	vpop (xrf2);
	(xrf2) =	vadd.scan.msk.f32 $0xffff, v5  }
0x80: {  	v6 =	vadd.f32 v24, v6;
	v4 =	vsel vm0, v4, v8;
	v5 =	vbroadcast v9, $0xF;
	v8, _, _ =	vpop (xrf2);
	(xrf2) =	vadd.scan.msk.f32 $0xffff, v7  }
0x81: {  	v3 =	vsel vm1, v4, v3;
	v7, _, _ =	vpop (xrf2);
	v4 =	vbroadcast v8, $0xF  }
0x82: {  	v3 =	vsel vm2, v3, v5;
	v8, _, _ =	vpop (xrf2);
	v5 =	vbroadcast v7, $0xF  }
0x83: {  	v3 =	vsel vm3, v3, v4;
	v4 =	vbroadcast v8, $0xF;
	v7, _, _ =	vpop (xrf2)  }
0x84: {  	(xrf2) =	vadd.scan.msk.f32 $0xffff, v6;
	v6, _, _ =	vpop (xrf2);
	v3 =	vsel vm4, v3, v5;
	v5 =	vbroadcast v7, $0xF  }
0x85: {  	v7, _, _ =	vpop (xrf2);
	v3 =	vsel vm5, v3, v4;
	v4 =	vbroadcast v6, $0xF  }
0x86: {  	v6, _, _ =	vpop (xrf2);
	v3 =	vsel vm6, v3, v5;
	v5 =	vbroadcast v7, $0xF  }
0x87: {  	v7, _, _ =	vpop (xrf2);
	v3 =	vsel vm7, v3, v4;
	v4 =	vbroadcast v6, $0xF  }
0x88: {  	v6, _, _ =	vpop (xrf2);
	v3 =	vsel vm8, v3, v5;
	v5 =	vbroadcast v7, $0xF  }
0x89: {  	v7, _, _ =	vpop (xrf2);
	v3 =	vsel vm9, v3, v4;
	v4 =	vbroadcast v6, $0xF  }
0x8a: {  	s14 =	sshll.u32 s24, $0x5;
	v6, _, _ =	vpop (xrf2);
	v3 =	vsel vm10, v3, v5  }
0x8b: {  	s26 =	sand.u32 $0x3FFFFFE0, s14;
	v3 =	vsel vm11, v3, v4;
	v4 =	vbroadcast v6, $0xF  }
0x8c: {  	v5 =	vbroadcast v7, $0xF;
	v7 =	vld [tilespmem:s26+$0x800];
	_ =	sdelay $0x1  }
0x8d: {  	v3 =	vsel vm12, v3, v5  }
0x8e: {  	v3 =	vsel vm13, v3, v4;
	v4, _, _ =	vpop (xrf2)  }
0x8f: {  	v3 =	vsel vm14, v3, v4  }
0x90: {  	(xrf1) =	vsort.ascd.msk.f32 $0xffff, v3, v7;
	_ =	sdelay $0x9  }
0x91: {  	s25 =	sshll.u32 s24, $0x10;
	p0 =	seq.s32 s24, $0x3;
	s0 =	rddreg [dreg:$0x9]  }
0x92: {  	s0 =	sadd.s32 @!p0 s25, s0  }
0x93: {  	s4 =	simm.s32 $0x0;
	s0 =	sshrl.u32 @!p0 s0, $0x3  }
0x94: {  	s2 =	simm.s32 @!p0 $0x0;
	s3 =	simm.s32 @!p0 $0x880;
	s0 =	sadd.s32 @!p0 s9, s0  }
0x95: {  	[tilespmem:s3], [sflag:$0x1] =	stream.linear.gather @!p0 [hbm4b:s0+s2], $0x8000, $0x38;
	v3, v4, _ =	vpop (xrf1);
	[tilespmem:$0x10980] =	vst v63  }
0x96: {  	s15 =	sand.u32 $0x3, s4;
	_ =	swait.ge [sflag:s20], $0x8000  }
0x97: {  	s0 =	sshll.u32 s15, $0x5;
	[sflag:s20] =	ssyncset.done $0x0  }
0x98: {  	s13 =	sand.u32 $0x3C00, s4;
	s5 =	sadd.s32 $0x0, s0;
	[sflag:s20] =	ssyncadd.s32 $0xFFFF8000  }
0x99: {  	s6 =	sadd.s32 $0xCC00, s13;
	s0 =	sand.u32 $0x60, s4;
	s16 =	sor.u32 $0x300, s5;
	v5 =	vld [tilespmem:s4+$0x0]  }
0x9a: {  	s7 =	sadd.s32 $0x8880, s13;
	s2 =	sor.u32 $0x10, s0;
	s17 =	sor.u32 s0, s6;
	v6 =	vld [tilespmem:s16+$0x8880]  }
0x9b: {  	s28 =	sor.u32 s2, s7;
	v7 =	vld [tilespmem:s17+$0x0]  }
0x9c: {  	s7 =	sor.u32 s0, s7;
	v9 =	vld [tilespmem:s28+$0x0]  }
0x9d: {  	s3 =	sadd.s32 $0xCB00, s13;
	s10 =	sor.u32 $0x380, s5;
	v10 =	vld [tilespmem:s7+$0x0]  }
0x9e: {  	s14 =	sadd.s32 $0xCA80, s13;
	s18 =	sor.u32 s2, s3;
	v8 =	vld [tilespmem:s10+$0x8880]  }
0x9f: {  	s11 =	sor.u32 s2, s14;
	v11 =	vld [tilespmem:s18+$0x0]  }
0xa0: {  	v12 =	vld [tilespmem:s11+$0x0]  }
0xa1: {  	v14 =	vld [tilespmem:s7+$0x200]  }
0xa2: {  	v16 =	vld [tilespmem:s7+$0x280]  }
0xa3: {  	v17 =	vld [tilespmem:s7+$0x80]  }
0xa4: {  	s23 =	sadd.s32 $0xC880, s13;
	v19 =	vld [tilespmem:s7+$0x180]  }
0xa5: {  	s15 =	sadd.s32 $0xC900, s13;
	v21 =	vld [tilespmem:s7+$0x100];
	s11 =	sor.u32 s0, s23  }
0xa6: {  	s17 =	sor.u32 s0, s15;
	v31 =	vld [tilespmem:s11+$0x0];
	v8 =	vsub.f32 v8, v5  }
0xa7: {  	s6 =	sor.u32 s2, s6;
	s4 =	sand.u32 $0x780, s4;
	v63 =	vld [tilespmem:s17+$0x0];
	v18 =	vsub.f32 v7, v5;
	v20 =	vsub.f32 v6, v5  }
0xa8: {  	v15 =	vimm.f32 $0.0e+00;
	v13 =	vld [tilespmem:s6+$0x0];
	s4 =	sor.u32 s2, s4;
	v16 =	vsub.f32 v16, v5;
	v17 =	vsub.f32 v17, v5  }
0xa9: {  	v3 =	vperm.xlane v3, v0;
	v7 =	vld [tilespmem:s4+$0x0];
	v25 =	vsub.f32 v14, v5;
	v14 =	vsub.f32 v19, v5  }
0xaa: {  	s21 =	sadd.s32 $0x10, s5;
	v22 =	vld [tilespmem:s28+$0x100];
	v10 =	vsub.f32 v10, v5;
	v21 =	vsub.f32 v21, v5;
	v8 =	vmul.f32 v8, v8  }
0xab: {  	s5 =	sor.u32 $0x300, s21;
	v23 =	vld [tilespmem:s28+$0x180];
	v36 =	vsub.f32 v31, v5;
	v18 =	vmul.f32 v18, v18;
	v20 =	vmul.f32 v20, v20  }
0xac: {  	s8 =	sor.u32 s2, s23;
	v19 =	vld [tilespmem:s5+$0x8880];
	v43 =	vsub.f32 v63, v5;
	v17 =	vmul.f32 v17, v17;
	v6 =	vadd.f32 v8, v15  }
0xad: {  	s22 =	sadd.s32 $0xCB80, s13;
	v4 =	vperm.xlane v4, v0;
	v24 =	vld [tilespmem:s8+$0x0];
	v8 =	vadd.f32 v18, v15;
	v28 =	vadd.f32 v20, v15  }
0xae: {  	s1 =	sor.u32 s0, s22;
	v26 =	vld [tilespmem:s28+$0x280];
	v29 =	vmul.f32 v14, v14;
	v14 =	vadd.f32 v17, v15;
	v9 =	vsub.f32 v9, v7  }
0xaf: {  	s12 =	sadd.s32 $0xCA00, s13;
	v27 =	vmul.f32 v16, v16;
	v16 =	vld [tilespmem:s1+$0x0];
	v11 =	vsub.f32 v11, v7;
	v22 =	vsub.f32 v22, v7  }
0xb0: {  	s16 =	sor.u32 s0, s12;
	v30 =	vmul.f32 v10, v10;
	v18 =	vsub.f32 v12, v7;
	v20 =	vsub.f32 v23, v7  }
0xb1: {  	s6 =	sor.u32 s2, s22;
	v17 =	vmul.f32 v21, v21;
	v21 =	vld [tilespmem:s16+$0x0];
	v12 =	vsub.f32 v19, v7;
	v13 =	vsub.f32 v13, v7  }
0xb2: {  	v33 =	vsub.f32 v24, v7;
	v24 =	vadd.f32 v30, v15;
	v10 =	vmul.f32 v11, v11;
	v11 =	vld [tilespmem:s6+$0x0]  }
0xb3: {  	s3 =	sor.u32 s0, s3;
	v19 =	vadd.f32 v29, v15;
	v41 =	vsub.f32 v26, v7;
	v23 =	vmul.f32 v9, v9  }
0xb4: {  	v40 =	vld [tilespmem:s3+$0x0];
	v16 =	vsub.f32 v16, v5;
	v37 =	vmul.f32 v12, v12;
	v9 =	vmul.f32 v25, v25  }
0xb5: {  	v34 =	vld [tilespmem:s28+$0x200];
	s23 =	sor.u32 s2, s12;
	v26 =	vmul.f32 v13, v13;
	v42 =	vmul.f32 v22, v22;
	v22 =	vimm.f32 $0.0e+00  }
0xb6: {  	s18 =	sadd.s32 $0xC980, s13;
	v39 =	vld [tilespmem:s23+$0x0];
	s4 =	sor.u32 $0x380, s21;
	s21 =	sor.u32 s2, s15;
	v13 =	vimm.f32 $0.0e+00;
	v12 =	vimm.f32 $0.0e+00;
	v25 =	vadd.f32 v9, v15  }
0xb7: {  	s22 =	sor.u32 s0, s18;
	v38 =	vld [tilespmem:s21+$0x0];
	v30 =	vmul.f32 v16, v16;
	v32 =	vsub.f32 v21, v5;
	v11 =	vsub.f32 v11, v7  }
0xb8: {  	s29 =	simm.s32 $0x20;
	s30 =	simm.s32 $0x100;
	s31 =	simm.s32 $0x1;
	v35 =	vld [tilespmem:s22+$0x0];
	v21 =	vadd.f32 v17, v15;
	v9 =	vimm.f32 $0.0e+00;
	v17 =	vimm.f32 $0.0e+00  }
0xb9: {  	s13 =	sor.u32 s0, s14;
	s0 =	sor.u32 s2, s18;
	s2 =	simm.s32 $0x20;
	v29 =	vld [tilespmem:s4+$0x8880];
	v16 =	vimm.f32 $0.0e+00;
	v31 =	vmul.f32 v11, v11;
	v11 =	vimm.f32 $0.0e+00  }
.LBB2_5:
0xba: {  	s3 =	sand.u32 $0x3, s31;
	s21 =	sand.u32 $0x60, s29;
	s5 =	sand.u32 $0x3C00, s30;
	v44 =	vld [tilespmem:s13+$0x0];
	v40 =	vsub.f32 v40, v5;
	v41 =	vmul.f32 v41, v41;
	v28 =	vadd.f32 v37, v28  }
0xbb: {  	v15 =	vadd.f32 v27, v15;
	v27 =	vmul.f32 v36, v36;
	s3 =	sshll.u32 s3, $0x5;
	s4 =	sadd.s32 $0x8880, s5;
	s7 =	sadd.s32 $0xCB00, s5;
	v36 =	vld [tilespmem:s28+$0x80];
	v21 =	vadd.f32 v42, v21  }
0xbc: {  	v33 =	vmul.f32 v33, v33;
	s12 =	sadd.s32 $0xCA00, s5;
	s10 =	sor.u32 $0x10, s21;
	v37 =	vmul.f32 v43, v43;
	s3 =	sadd.s32 s3, s30;
	v38 =	vsub.f32 v38, v7;
	v42 =	vld [tilespmem:s0+$0x0]  }
0xbd: {  	v9 =	vadd.f32 v30, v9;
	s6 =	sadd.s32 $0xCC00, s5;
	v40 =	vmul.f32 v40, v40;
	v43 =	vld [tilespmem:s2+$0x0];
	s0 =	sor.u32 $0x300, s3;
	s13 =	sadd.s32 $0x10, s3;
	v30 =	vsub.f32 v39, v7  }
0xbe: {  	v29 =	vsub.f32 v29, v7;
	v8 =	vadd.f32 v26, v8;
	v39 =	vld [tilespmem:s0+$0x8880];
	s0 =	sor.u32 $0x380, s3;
	s3 =	sor.u32 s21, s6;
	s16 =	sor.u32 $0x300, s13;
	v38 =	vmul.f32 v38, v38  }
0xbf: {  	s23 =	sadd.s32 $0xCA80, s5;
	v34 =	vsub.f32 v34, v7;
	s28 =	sor.u32 s10, s4;
	v35 =	vsub.f32 v35, v5;
	v26 =	vld [tilespmem:s3+$0x0];
	s3 =	sand.u32 $0x780, s29;
	v30 =	vmul.f32 v30, v30  }
0xc0: {  	v32 =	vmul.f32 v32, v32;
	s1 =	sadd.s32 $0xC980, s5;
	s11 =	sor.u32 s21, s4;
	v9 =	vadd.f32 v31, v9;
	v44 =	vsub.f32 v44, v5;
	s3 =	sor.u32 s10, s3;
	v45 =	vld [tilespmem:s28+$0x0]  }
0xc1: {  	v18 =	vmul.f32 v18, v18;
	s14 =	sadd.s32 $0xCB80, s5;
	s4 =	sadd.s32 $0xC880, s5;
	v22 =	vadd.f32 v27, v22;
	s18 =	sor.u32 $0x380, s13;
	v31 =	vld [tilespmem:s11+$0x0]  }
0xc2: {  	v29 =	vmul.f32 v29, v29;
	s22 =	sor.u32 s21, s4;
	v34 =	vmul.f32 v34, v34;
	v42 =	vsub.f32 v42, v7;
	v27 =	vld [tilespmem:s0+$0x8880];
	s0 =	sor.u32 s10, s4;
	s4 =	sor.u32 s10, s7;
	v5 =	vmovc v43  }
0xc3: {  	v20 =	vmul.f32 v20, v20;
	s8 =	sor.u32 s10, s6;
	v15 =	vadd.f32 v41, v15;
	s13 =	sor.u32 s10, s23;
	v13 =	vadd.f32 v40, v13;
	v43 =	vld [tilespmem:s4+$0x0];
	s4 =	sor.u32 s10, s14  }
0xc4: {  	v24 =	vadd.f32 v23, v24;
	s17 =	sadd.s32 $0xC900, s5;
	s5 =	sor.u32 s21, s12;
	s15 =	sor.u32 s21, s14;
	v7 =	vsub.f32 v36, v7;
	v23 =	vmul.f32 v42, v42;
	v40 =	vld [tilespmem:s13+$0x0]  }
0xc5: {  	v17 =	vadd.f32 v37, v17;
	s6 =	sor.u32 s21, s17;
	s17 =	sor.u32 s10, s17;
	v25 =	vadd.f32 v34, v25;
	v35 =	vmul.f32 v35, v35;
	s14 =	sor.u32 s21, s1;
	v36 =	vld [tilespmem:s8+$0x0]  }
0xc6: {  	v13 =	vadd.f32 v10, v13;
	s7 =	sor.u32 s21, s7;
	v34 =	vsub.f32 v39, v5;
	v39 =	vmul.f32 v7, v7;
	s13 =	sor.u32 s21, s23;
	s21 =	sor.u32 s10, s12;
	v37 =	vld [tilespmem:s0+$0x0]  }
0xc7: {  	p1 =	sne.s32 s29, $0x7E0;
	s29 =	sadd.s32 $0x20, s29;
	v10 =	vadd.f32 v35, v16;
	v16 =	vmul.f32 v44, v44;
	v7 =	vsub.f32 v26, v5;
	s0 =	sor.u32 s10, s1;
	v26 =	vld [tilespmem:s28+$0x280]  }
0xc8: {  	v17 =	vadd.f32 v38, v17;
	v34 =	vmul.f32 v34, v34;
	v27 =	vsub.f32 v27, v5;
	v35 =	vld [tilespmem:s11+$0x200]  }
0xc9: {  	v19 =	vadd.f32 v20, v19;
	v41 =	vmul.f32 v7, v7;
	v7 =	vadd.f32 v32, v11;
	v38 =	vld [tilespmem:s11+$0x280]  }
0xca: {  	v6 =	vadd.f32 v29, v6;
	v12 =	vadd.f32 v16, v12;
	v27 =	vmul.f32 v27, v27;
	v20 =	vld [tilespmem:s11+$0x80]  }
0xcb: {  	v16 =	vadd.f32 v23, v10;
	v11 =	vadd.f32 v30, v7;
	v29 =	vld [tilespmem:s11+$0x180]  }
0xcc: {  	v22 =	vadd.f32 v33, v22;
	v10 =	vadd.f32 v39, v14;
	v7 =	vld [tilespmem:s3+$0x0]  }
0xcd: {  	v12 =	vadd.f32 v18, v12;
	v6 =	vadd.f32 v27, v6;
	v14 =	vld [tilespmem:s11+$0x100]  }
0xce: {  	v8 =	vadd.f32 v41, v8;
	v18 =	vsub.f32 v38, v5;
	v23 =	vld [tilespmem:s28+$0x100]  }
0xcf: {  	v30 =	vsub.f32 v35, v5;
	v20 =	vsub.f32 v20, v5;
	v32 =	vld [tilespmem:s28+$0x180]  }
0xd0: {  	v28 =	vadd.f32 v34, v28;
	v29 =	vsub.f32 v29, v5;
	v27 =	vmul.f32 v18, v18;
	v33 =	vld [tilespmem:s16+$0x8880]  }
0xd1: {  	v18 =	vsub.f32 v31, v5;
	v20 =	vmul.f32 v20, v20;
	v31 =	vld [tilespmem:s15+$0x0];
	v34 =	vsub.f32 v45, v7  }
0xd2: {  	v39 =	vsub.f32 v43, v7;
	v35 =	vsub.f32 v14, v5;
	v38 =	vmul.f32 v29, v29;
	v29 =	vld [tilespmem:s18+$0x8880]  }
0xd3: {  	v41 =	vmul.f32 v18, v18;
	v18 =	vsub.f32 v40, v7;
	v42 =	vld [tilespmem:s22+$0x0];
	v43 =	vsub.f32 v23, v7  }
0xd4: {  	v14 =	vadd.f32 v20, v10;
	v10 =	vmul.f32 v39, v39;
	v20 =	vsub.f32 v32, v7;
	v32 =	vld [tilespmem:s4+$0x0]  }
0xd5: {  	v45 =	vsub.f32 v36, v7;
	v35 =	vmul.f32 v35, v35;
	v39 =	vld [tilespmem:s5+$0x0];
	v44 =	vsub.f32 v33, v7  }
0xd6: {  	v23 =	vmul.f32 v34, v34;
	v33 =	vsub.f32 v37, v7;
	v46 =	vld [tilespmem:s6+$0x0];
	v31 =	vsub.f32 v31, v5  }
.Ltmp1:
0xd7: {  	v24 =	vadd.f32 v41, v24;
	v19 =	vadd.f32 v38, v19;
	v40 =	vld [tilespmem:s7+$0x0];
	v37 =	vmul.f32 v44, v44;
	(pc) =	sbr.rel @p1 .LBB2_5-.Ltmp1, $4  }
0xd8: {  	v44 =	vmul.f32 v30, v30;
	v36 =	vsub.f32 v42, v5;
	v30 =	vmul.f32 v31, v31;
	v34 =	vld [tilespmem:s28+$0x200]  }
0xd9: {  	v41 =	vsub.f32 v26, v7;
	v26 =	vmul.f32 v45, v45;
	v38 =	vld [tilespmem:s17+$0x0];
	v31 =	vsub.f32 v32, v7  }
0xda: {  	v42 =	vmul.f32 v43, v43;
	v25 =	vadd.f32 v44, v25;
	v32 =	vsub.f32 v39, v5;
	v39 =	vld [tilespmem:s21+$0x0]  }
0xdb: {  	s31 =	sadd.s32 $0x1, s31;
	s30 =	sadd.s32 $0x100, s30;
	s2 =	sadd.s32 $0x20, s2;
	v21 =	vadd.f32 v35, v21;
	v43 =	vsub.f32 v46, v5;
	v35 =	vld [tilespmem:s14+$0x0];
	v31 =	vmul.f32 v31, v31  }
0xdc: {  	v44 =	vld [tilespmem:s28+$0x80];
	_ =	sdelay $0x4  }
0xdd: {  	v40 =	vsub.f32 v40, v5;
	v41 =	vmul.f32 v41, v41;
	v44 =	vsub.f32 v44, v7  }
0xde: {  	v28 =	vadd.f32 v37, v28;
	v15 =	vadd.f32 v27, v15;
	v52 =	vmul.f32 v36, v36  }
0xdf: {  	v33 =	vmul.f32 v33, v33;
	v23 =	vadd.f32 v23, v24;
	v54 =	vmul.f32 v44, v44  }
0xe0: {  	v55 =	vld [tilespmem:s0+$0x0];
	v20 =	vmul.f32 v20, v20;
	v58 =	vsub.f32 v29, v7;
	v34 =	vsub.f32 v34, v7  }
0xe1: {  	v56 =	vld [tilespmem:s13+$0x0];
	v61 =	vmul.f32 v32, v32;
	v21 =	vadd.f32 v42, v21;
	v14 =	vadd.f32 v54, v14  }
0xe2: {  	v38 =	vsub.f32 v38, v7;
	(xrf2) =	vadd.scan.msk.f32 $0xffff, v23;
	v19 =	vadd.f32 v20, v19;
	v34 =	vmul.f32 v34, v34  }
0xe3: {  	v53 =	vmul.f32 v43, v43;
	v15 =	vadd.f32 v41, v15;
	v24 =	vadd.f32 v52, v22;
	(xrf2) =	vadd.scan.msk.f32 $0xffff, v14  }
0xe4: {  	v57 =	vmul.f32 v40, v40;
	v60 =	vsub.f32 v35, v5;
	v25 =	vadd.f32 v34, v25;
	(xrf2) =	vadd.scan.msk.f32 $0xffff, v21  }
0xe5: {  	v62 =	vmul.f32 v58, v58;
	v39 =	vsub.f32 v39, v7;
	v17 =	vadd.f32 v53, v17;
	(xrf2) =	vadd.scan.msk.f32 $0xffff, v19  }
0xe6: {  	v63 =	vsub.f32 v55, v7;
	v23 =	vsub.f32 v56, v5;
	v14 =	vmul.f32 v60, v60;
	(xrf2) =	vadd.scan.msk.f32 $0xffff, v25  }
0xe7: {  	v59 =	vmul.f32 v38, v38;
	v6 =	vadd.f32 v62, v6;
	v27 =	vadd.f32 v33, v24;
	(xrf2) =	vadd.scan.msk.f32 $0xffff, v15  }
0xe8: {  	v7 =	vmul.f32 v63, v63;
	v5 =	vmul.f32 v23, v23;
	v14 =	vadd.f32 v14, v16;
	(xrf2) =	vadd.scan.msk.f32 $0xffff, v28  }
0xe9: {  	v11 =	vadd.f32 v61, v11;
	v17 =	vadd.f32 v59, v17;
	v28 =	vmul.f32 v39, v39;
	(xrf2) =	vadd.scan.msk.f32 $0xffff, v6  }
0xea: {  	v29 =	vmul.f32 v18, v18;
	v5 =	vadd.f32 v5, v12;
	v7 =	vadd.f32 v7, v14;
	(xrf2) =	vadd.scan.msk.f32 $0xffff, v27  }
0xeb: {  	v32 =	vadd.f32 v57, v13;
	v11 =	vadd.f32 v28, v11;
	(xrf2) =	vadd.scan.msk.f32 $0xffff, v17  }
0xec: {  	v9 =	vadd.f32 v30, v9;
	v5 =	vadd.f32 v29, v5;
	v33, _, _ =	vpop (xrf2);
	(xrf2) =	vadd.scan.msk.f32 $0xffff, v7  }
0xed: {  	v34 =	vadd.f32 v10, v32;
	v35, _, _ =	vpop (xrf2);
	(xrf2) =	vadd.scan.msk.f32 $0xffff, v11  }
0xee: {  	v9 =	vadd.f32 v31, v9;
	v6 =	vbroadcast v33, $0xF;
	v10 =	vbroadcast v35, $0xF;
	v36, _, _ =	vpop (xrf2);
	(xrf2) =	vadd.scan.msk.f32 $0xffff, v5  }
0xef: {  	v37 =	vbroadcast v36, $0xF;
	v38, _, _ =	vpop (xrf2);
	(xrf2) =	vadd.scan.msk.f32 $0xffff, v34  }
0xf0: {  	v6 =	vsel vm0, v6, v10;
	v39 =	vbroadcast v38, $0xF;
	v40, _, _ =	vpop (xrf2);
	(xrf2) =	vadd.scan.msk.f32 $0xffff, v9  }
0xf1: {  	v8 =	vadd.f32 v26, v8;
	v41, _, _ =	vpop (xrf2);
	v5 =	vsel vm1, v6, v37;
	v42 =	vbroadcast v40, $0xF  }
0xf2: {  	v43, _, _ =	vpop (xrf2);
	v5 =	vsel vm2, v5, v39;
	v44 =	vbroadcast v41, $0xF  }
0xf3: {  	(xrf2) =	vadd.scan.msk.f32 $0xffff, v8;
	v5 =	vsel vm3, v5, v42;
	v45 =	vbroadcast v43, $0xF;
	v46, _, _ =	vpop (xrf2)  }
0xf4: {  	v47, _, _ =	vpop (xrf2);
	v5 =	vsel vm4, v5, v44;
	v48 =	vbroadcast v46, $0xF  }
0xf5: {  	v49, _, _ =	vpop (xrf2);
	v5 =	vsel vm5, v5, v45;
	v50 =	vbroadcast v47, $0xF  }
0xf6: {  	v51, _, _ =	vpop (xrf2);
	v5 =	vsel vm6, v5, v48;
	v52 =	vbroadcast v49, $0xF  }
0xf7: {  	v53, _, _ =	vpop (xrf2);
	v5 =	vsel vm7, v5, v50;
	v54 =	vbroadcast v51, $0xF  }
0xf8: {  	v55, _, _ =	vpop (xrf2);
	v5 =	vsel vm8, v5, v52;
	v56 =	vbroadcast v53, $0xF  }
0xf9: {  	v57, _, _ =	vpop (xrf2);
	v5 =	vsel vm9, v5, v54;
	v58 =	vbroadcast v55, $0xF  }
0xfa: {  	v61 =	vld [tilespmem:s26+$0x810];
	v59, _, _ =	vpop (xrf2);
	v5 =	vsel vm10, v5, v56;
	v60 =	vbroadcast v57, $0xF  }
0xfb: {  	v5 =	vsel vm11, v5, v58;
	v62 =	vbroadcast v59, $0xF  }
0xfc: {  	vm15 =	vle.f32 v2, v3;
	v5 =	vsel vm12, v5, v60  }
0xfd: {  	v2 =	vsel vm15, v2, v3;
	v1 =	vsel vm15, v1, v4;
	v63, _, _ =	vpop (xrf2);
	v3 =	vsel vm13, v5, v62  }
0xfe: {  	(xrf1) =	vsort.ascd.msk.f32 $0xffff, v2, v1;
	v1 =	vsel vm14, v3, v63  }
0xff: {  	(xrf1) =	vsort.ascd.msk.f32 $0xffff, v1, v61;
	_ =	sdelay $0xc  }
0x100: {  	v1, v2, _ =	vpop (xrf1)  }
0x101: {  	v3, v4, _ =	vpop (xrf1)  }
0x102: {  	v3 =	vperm.xlane v3, v0  }
0x103: {  	v4 =	vperm.xlane v4, v0  }
0x104: {  	vm15 =	vle.f32 v1, v3  }
0x105: {  	v1 =	vsel vm15, v1, v3;
	v2 =	vsel vm15, v2, v4  }
0x106: {  	(xrf1) =	vsort.ascd.msk.f32 $0xffff, v1, v2;
	_ =	sdelay $0x3  }
0x107: {  	s0 =	rddreg [dreg:$0xa]  }
0x108: {  	s0 =	sadd.s32 @!p0 s25, s0  }
0x109: {  	s1 =	simm.s32 @!p0 $0x0;
	s0 =	sshrl.u32 @!p0 s0, $0x3  }
0x10a: {  	s2 =	simm.s32 @!p0 $0x8880;
	s24 =	sadd.s32 $0x1, s24;
	s0 =	sadd.s32 @!p0 s9, s0  }
0x10b: {  	[tilespmem:s2], [sflag:$0x2] =	stream.linear.gather @!p0 [hbm4b:s0+s1], $0x8000, $0x38;
	[tilespmem:$0x10980] =	vst v63  }
0x10c: {  	p0 =	sne.s32 s24, $0x4  }
.Ltmp2:
0x10d: {  	_ = 	snop;
	(pc) =	sbr.rel @p0 .LBB2_2-.Ltmp2, $2  }
0x10e: {  	_ =	sdelay $0x2  }
0x10f: {  	v2, v1, _ =	vpop (xrf1)  }
0x110: {  	[tilespmem:$0x10880] =	vst v2;
	s1 =	simm.s32 $0x0  }
0x111: {  	[tilespmem:$0x10900] =	vst v1;
	s0 =	rddreg [dreg:$0xb];
	s2 =	simm.s32 $0x10880;
	s4 =	simm.s32 $0x3  }
0x112: {  	[hbm4b:s0+s1] =	stream.linear.scatter [tilespmem:s2], [sflag:$0x3], $0x80, $0x38;
	[tilespmem:$0x10980] =	vst v63  }
0x113: {  	_ =	swait.ge [sflag:s4], $0x80  }
0x114: {  	[sflag:s4] =	ssyncset.done $0x0  }
0x115: {  	s29 =	simm.s32 $0x10900;
	s28 =	rddreg [dreg:$0xc];
	[sflag:s4] =	ssyncadd.s32 $0xFFFFFF80  }
0x116: {  	[hbm4b:s28+s1] =	stream.linear.scatter [tilespmem:s29], [sflag:$0x3], $0x80, $0x38;
	[tilespmem:$0x10980] =	vst v63  }
0x117: {  	_ =	swait.ge [sflag:s4], $0x80  }
0x118: {  	s30 =	rddreg [dreg:$0xe]  }
0x119: {  	s31 =	rddreg [dreg:$0xd];
	s2 =	sadd.s32 $0x1, s30  }
0x11a: {  	p0 =	sne.s32 s2, s31  }
.Ltmp3:
0x11b: {  	_ = 	snop;
	(pc) =	sbr.rel @p0 .LBB2_1-.Ltmp3, $3  }
0x11c: {  	_ =	sdelay $0x1  }
0x11d: {  	[sflag:s4] =	ssyncset.done $0x0  }
0x11e: {  	[sflag:s4] =	ssyncadd.s32 $0xFFFFFF80  }
0x11f: {  	_ =	sfence.sel $0x180000  }
0x120: {  	[bflag:$0x0] =	sbarrier.arrive $0xFFFF  }
0x121: {  	_ =	strace $0x90000047  }
0x122: {  	s0 =	stileid.u32;
	[bflag:$0x2] =	sbarrier.arrive $0xFFFF  }
0x123: {  	p0 =	sne.s32 s0, $0x0;
	s0 =	rddreg [dreg:$0x4]  }
0x124: {  	s0 =	sadd.s32 @!p0 $0x100000, s0  }
0x125: {  	[sflag:s0] =	ssyncadd.tile.s32 @!p0 $0x1;
	_ =	shalt  }
.Lfunc_end2:
_tile_overlayer_lowered:
.L_overlay_start_2:
0x126: {  	(tag) =	ssettag $0x2  }
0x127: {  	s0 =	rddreg [dreg:$0x0];
	s2 =	stileid.u32  }
0x128: {  	s1 =	rddreg [dreg:$0x1];
	p0 =	sne.s32 s2, $0x0  }
0x129: {  	s3 =	rddreg [dreg:$0x2];
	[bflag:$0x3] =	sbarrier.arrive $0xFFFF;
	s2 =	simm.s32 @!p0 $0x1C03  }
0x12a: {  	[timem:s3], [sflag:s2] =	dma.local @!p0 [hbm:s0], s1  }
0x12b: {  	s0 =	simm.s32 @!p0 $0x3  }
0x12c: {  	_ =	swait.ge @!p0 [sflag:s0], s1  }
0x12d: {  	s1 =	ssub.s32 @!p0 $0x0, s1;
	[sflag:s0] =	ssyncset.done @!p0 $0x0  }
0x12e: {  	[sflag:s0] =	ssyncadd.s32 @!p0 s1  }
0x12f: {  	[bflag:$0x3] =	sbarrier.arrive $0xFFFF  }
0x130: {  	_ =	shalt  }

</sc_bundles>
